<compile_context>
chip_gen: v7x
topology: tpu7x:2x2x1
jax: 0.10.2.dev20260603
libtpu: 0.0.44.dev20260713+nightly
codegen_flags: <defaults>
</compile_context>

<pallas_src>
import functools

import jax
import jax.numpy as jnp
from jax import lax
from jax.experimental import pallas as pl
from jax.experimental.pallas import tpu as pltpu
from jax.experimental.pallas import tpu_sc as plsc

N = 10000
E = 320000
D = 128
OUT = 128

NC = 2
NS = 16
L = 16
D2 = D + L
CH = 112
NP = 10240
RPT = NP // NS
WB = 112
KWB = RPT // WB
WBT = RPT - KWB * WB
NCHUNK = 180
GB = 20
NBLK = NCHUNK // GB
EPT = NCHUNK * CH
PE = EPT * NS
ERS = PE // CH
BR = 1000


_mesh = plsc.VectorSubcoreMesh(core_axis_name="c", subcore_axis_name="s")


@functools.partial(
    pl.kernel,
    out_type=jax.ShapeDtypeStruct((NC * NP, D2), jnp.float32),
    mesh=_mesh,
    scratch_types=[
        pltpu.VMEM_SHARED((NP, D2), jnp.float32),
        pltpu.VMEM((GB, CH), jnp.int32),
        pltpu.VMEM((GB, CH), jnp.int32),
        pltpu.VMEM((CH, D2), jnp.float32),
        pltpu.VMEM((CH, D2), jnp.float32),
        pltpu.SemaphoreType.DMA,
        pltpu.SemaphoreType.DMA,
    ],
    compiler_params=pltpu.CompilerParams(use_tc_tiling_on_sc=False),
)
def _sc_aggregate(feat_hbm, ei_hbm, sums_hbm, acc, gia, sia,
                  rows0, rows1, sem0, sem1):
    d = lax.axis_index("c")
    s = lax.axis_index("s")
    rb = s * RPT

    def zrow(r, carry):
        def zcol(c, carry2):
            rows0[r, pl.ds(c * L, L)] = jnp.zeros((L,), jnp.float32)
            return carry2
        lax.fori_loop(0, D2 // L, zcol, 0)
        return carry
    lax.fori_loop(0, WB, zrow, 0)
    for k in range(KWB):
        pltpu.sync_copy(rows0, acc.at[pl.ds(rb + k * WB, WB)])
    pltpu.sync_copy(rows0.at[pl.ds(0, WBT)],
                    acc.at[pl.ds(rb + KWB * WB, WBT)])

    grow = d * ERS + s * NCHUNK
    scrow = (1 - d) * ERS + s * NCHUNK
    plsc.subcore_barrier()

    bufs = (rows0, rows1)
    sems = (sem0, sem1)

    def block(nb, carry):
        pltpu.sync_copy(ei_hbm.at[pl.ds(grow + nb * GB, GB)], gia)
        pltpu.sync_copy(ei_hbm.at[pl.ds(scrow + nb * GB, GB)], sia)
        pltpu.async_copy(feat_hbm.at[gia.at[0]], rows0, sem0)
        pltpu.async_copy(feat_hbm.at[gia.at[1]], rows1, sem1)
        for i in range(GB):
            b = i % 2
            pltpu.make_async_copy(feat_hbm.at[gia.at[i]], bufs[b],
                                  sems[b]).wait()
            pltpu.sync_copy(bufs[b], acc.at[sia.at[i]], add=True)
            if i + 2 < GB:
                pltpu.async_copy(feat_hbm.at[gia.at[i + 2]], bufs[b],
                                 sems[b])
        return carry
    lax.fori_loop(0, NBLK, block, 0)
    plsc.subcore_barrier()

    ob = d * NP + rb
    for k in range(KWB):
        pltpu.sync_copy(acc.at[pl.ds(rb + k * WB, WB)], rows0)
        pltpu.sync_copy(rows0, sums_hbm.at[pl.ds(ob + k * WB, WB)])
    pltpu.sync_copy(acc.at[pl.ds(rb + KWB * WB, WBT)],
                    rows0.at[pl.ds(0, WBT)])
    pltpu.sync_copy(rows0.at[pl.ds(0, WBT)],
                    sums_hbm.at[pl.ds(ob + KWB * WB, WBT)])


def _combine_body(feat_ref, sums_ref, w_ref, out_ref):
    w = w_ref[...]
    f = feat_ref[...][:, 0:D]
    s0 = sums_ref[0][:, 0:D]
    s1 = sums_ref[1][:, 0:D]
    d0 = jnp.maximum(sums_ref[0][:, D:D + 1], 1.0)
    d1 = jnp.maximum(sums_ref[1][:, D:D + 1], 1.0)
    acc = jnp.dot(f, w[0:D], preferred_element_type=jnp.float32)
    acc = acc + jnp.dot(s0 / d0, w[D:2 * D], preferred_element_type=jnp.float32)
    acc = acc + jnp.dot(s1 / d1, w[2 * D:3 * D], preferred_element_type=jnp.float32)
    out_ref[...] = acc


def kernel(feat, edge_index, W):
    featp = jnp.zeros((NP, D2), jnp.float32)
    featp = featp.at[:N, :D].set(feat)
    featp = featp.at[:, D].set(1.0)
    pad = jnp.full((2, PE - E), N, jnp.int32)
    eip = jnp.concatenate([edge_index, pad], axis=1)
    ei2 = eip.reshape(2 * ERS, CH)

    sums_f = _sc_aggregate(featp, ei2)
    sums = sums_f.reshape(NC, NP, D2)

    outp = pl.pallas_call(
        _combine_body,
        grid=(N // BR,),
        in_specs=[
            pl.BlockSpec((BR, D2), lambda j: (j, 0)),
            pl.BlockSpec((NC, BR, D2), lambda j: (0, j, 0)),
            pl.BlockSpec((3 * D, OUT), lambda j: (0, 0)),
        ],
        out_specs=pl.BlockSpec((BR, OUT), lambda j: (j, 0)),
        out_shape=jax.ShapeDtypeStruct((N, OUT), jnp.float32),
    )(featp, sums, W)
    return outp

# --- scband reference (transcript-rebuilt; emitter-appended) ---
"""Pipeline reference for scband-dir-pcapass-conv-81329500717451 (READ-ONLY COPY).

The authoritative reference and input builder live on the scoring server;
editing this copy changes nothing except your own understanding.
"""

import jax, jax.numpy as jnp
import numpy as np

N = 10000
E = 320000
D = 128
OUT = 128


def setup_inputs(seed: int = 0) -> dict:
    key = jax.random.key(seed)
    k1, k2, k3 = jax.random.split(key, 3)
    feat = jax.random.normal(k1, (N, D), dtype=jnp.float32)
    edge_index = jax.random.randint(k2, (2, E), 0, N, dtype=jnp.int32)
    # fc_self_neigh weight: Linear(3*in_feats -> out_feats, bias=False)
    W = jax.random.normal(k3, (3 * D, OUT), dtype=jnp.float32) / np.sqrt(3 * D)
    return {"feat": feat, "edge_index": edge_index, "W": W}


def _mean_agg(feat, src, dst, num_nodes):
    # message: copy source features along edges; reduce: mean at destination
    msg_sum = jax.ops.segment_sum(feat[src], dst, num_segments=num_nodes)
    deg = jax.ops.segment_sum(jnp.ones((src.shape[0],), feat.dtype), dst, num_segments=num_nodes)
    return msg_sum / jnp.maximum(deg, 1.0)[:, None]


def reference(feat, edge_index, W):
    src = edge_index[0]
    dst = edge_index[1]
    n = feat.shape[0]
    # h_self: identity (feat_drop=0.0)
    h_self = feat
    # fwd_sage_conv on original graph: dst aggregates in-neighbors (src)
    fwd_neigh = _mean_agg(feat, src, dst, n)
    # bwd_sage_conv on reversed graph: src aggregates out-neighbors (dst)
    bwd_neigh = _mean_agg(feat, dst, src, n)
    h = jnp.concatenate([h_self, fwd_neigh, bwd_neigh], axis=1)
    rst = h @ W  # bias=False, activation=None, norm=None
    return rst

if __name__ == "__main__":
    import jax
    _d = setup_inputs()
    print(jax.jit(kernel)(*tuple(_d.values())))

</pallas_src>

<mosaic_0001>
#map = affine_map<(d0, d1) -> (0, 0)>
module attributes {stable_mosaic.version = 14 : i64} {
  func.func @_sc_aggregate(%arg0: i32, %arg1: i32, %arg2: memref<10240x144xf32, #tpu.memory_space<hbm>>, %arg3: memref<5760x112xi32, #tpu.memory_space<hbm>>, %arg4: memref<20480x144xf32, #tpu.memory_space<hbm>>, %arg5: memref<10240x144xf32, #tpu.memory_space<vmem_shared>>, %arg6: memref<20x112xi32, #tpu.memory_space<vmem>>, %arg7: memref<20x112xi32, #tpu.memory_space<vmem>>, %arg8: memref<112x144xf32, #tpu.memory_space<vmem>>, %arg9: memref<112x144xf32, #tpu.memory_space<vmem>>, %arg10: memref<!tpu.dma_semaphore, #tpu.memory_space<semaphore_mem>>, %arg11: memref<!tpu.dma_semaphore, #tpu.memory_space<semaphore_mem>>) attributes {dimension_semantics = [#tpu.dimension_semantics<core_parallel>, #tpu.dimension_semantics<subcore_parallel>], iteration_bounds = array<i64: 2, 16>, scalar_prefetch = 0 : i64, scratch_operands = 7 : i64, tpu.core_type = #tpu.core_type<sc_vector_subcore>, window_params = [{transform_indices = #map}, {transform_indices = #map}, {transform_indices = #map}]} {
    %mul3A = arith.constant 640 : i32
    %mul3A_0 = arith.muli %arg1, %mul3A : i32
    %scan3A = arith.constant 0 : i32
    %scan3A_1 = arith.constant 0 : i32
    %scan3A_2 = arith.constant 112 : i32
    %scan3A_3 = arith.addi %scan3A_1, %scan3A_2 : i32
    %scan3A_4 = arith.constant 1 : i32
    scf.for %scan3A_62 = %scan3A_1 to %scan3A_3 step %scan3A_4  : i32 {
      %scan3A_63 = arith.constant 0 : i32
      %scan3A_64 = arith.constant 0 : i32
      %scan3A_65 = arith.constant 9 : i32
      %scan3A_66 = arith.addi %scan3A_64, %scan3A_65 : i32
      %scan3A_67 = arith.constant 1 : i32
      scf.for %scan3A_69 = %scan3A_64 to %scan3A_66 step %scan3A_67  : i32 {
        %broadcast_in_dim3A = arith.constant 0.000000e+00 : f32
        %broadcast_in_dim3A_70 = vector.broadcast %broadcast_in_dim3A : f32 to vector<16xf32>
        %mul3A_71 = arith.constant 16 : i32
        %mul3A_72 = arith.muli %scan3A_69, %mul3A_71 : i32
        %swap3A = arith.index_cast %scan3A_62 : i32 to index
        %swap3A_73 = arith.index_cast %mul3A_72 : i32 to index
        %swap3A_74 = tpu.vector_load %arg8[%swap3A, %swap3A_73] {strides = array<i32>} : memref<112x144xf32, #tpu.memory_space<vmem>>, vector<1x16xf32>,
        %swap3A_75 = vector.shape_cast %swap3A_74 : vector<1x16xf32> to vector<16xf32>
        %swap3A_76 = vector.shape_cast %broadcast_in_dim3A_70 : vector<16xf32> to vector<1x16xf32>
        tpu.vector_store %arg8[%swap3A, %swap3A_73], %swap3A_76 {strides = array<i32>} : memref<112x144xf32, #tpu.memory_space<vmem>>, vector<1x16xf32>,
      }
      %scan3A_68 = arith.constant 9 : i32
    }
    %scan3A_5 = arith.constant 112 : i32
    %add3A = arith.constant 0 : i32
    %add3A_6 = arith.addi %mul3A_0, %add3A : i32
    "tpu.region"() ({
      %run_scoped3A = tpu.sem_alloc : memref<!tpu.dma_semaphore, #tpu.memory_space<semaphore_mem>>
      %dma_start3A = arith.constant 0 : i32
      %dma_start3A_62 = tpu.memref_slice %arg5[%add3A_6, %dma_start3A] : memref<10240x144xf32, #tpu.memory_space<vmem_shared>> -> memref<112x144xf32, #tpu.memory_space<vmem_shared>>
      %dma_start3A_63 = arith.constant 0 : i32
      %dma_start3A_64 = tpu.memref_slice %arg5[%add3A_6, %dma_start3A_63] : memref<10240x144xf32, #tpu.memory_space<vmem_shared>> -> memref<112x144xf32, #tpu.memory_space<vmem_shared>>
      tpu.enqueue_dma source(%arg8 : memref<112x144xf32, #tpu.memory_space<vmem>>) target(%dma_start3A_64 : memref<112x144xf32, #tpu.memory_space<vmem_shared>>) target_semaphore(%run_scoped3A : memref<!tpu.dma_semaphore, #tpu.memory_space<semaphore_mem>>)
      %dma_wait3A = arith.constant 0 : i32
      %dma_wait3A_65 = tpu.memref_slice %arg5[%add3A_6, %dma_wait3A] : memref<10240x144xf32, #tpu.memory_space<vmem_shared>> -> memref<112x144xf32, #tpu.memory_space<vmem_shared>>
      %dma_wait3A_66 = arith.constant 0 : i32
      %dma_wait3A_67 = tpu.memref_slice %arg5[%add3A_6, %dma_wait3A_66] : memref<10240x144xf32, #tpu.memory_space<vmem_shared>> -> memref<112x144xf32, #tpu.memory_space<vmem_shared>>
      tpu.wait_dma2 semaphore(%run_scoped3A : memref<!tpu.dma_semaphore, #tpu.memory_space<semaphore_mem>>) src(%arg8 : memref<112x144xf32, #tpu.memory_space<vmem>>) dst(%dma_wait3A_67 : memref<112x144xf32, #tpu.memory_space<vmem_shared>>)
      tpu.yield
    }) : () -> ()
    %add3A_7 = arith.constant 112 : i32
    %add3A_8 = arith.addi %mul3A_0, %add3A_7 : i32
    "tpu.region"() ({
      %run_scoped3A = tpu.sem_alloc : memref<!tpu.dma_semaphore, #tpu.memory_space<semaphore_mem>>
      %dma_start3A = arith.constant 0 : i32
      %dma_start3A_62 = tpu.memref_slice %arg5[%add3A_8, %dma_start3A] : memref<10240x144xf32, #tpu.memory_space<vmem_shared>> -> memref<112x144xf32, #tpu.memory_space<vmem_shared>>
      %dma_start3A_63 = arith.constant 0 : i32
      %dma_start3A_64 = tpu.memref_slice %arg5[%add3A_8, %dma_start3A_63] : memref<10240x144xf32, #tpu.memory_space<vmem_shared>> -> memref<112x144xf32, #tpu.memory_space<vmem_shared>>
      tpu.enqueue_dma source(%arg8 : memref<112x144xf32, #tpu.memory_space<vmem>>) target(%dma_start3A_64 : memref<112x144xf32, #tpu.memory_space<vmem_shared>>) target_semaphore(%run_scoped3A : memref<!tpu.dma_semaphore, #tpu.memory_space<semaphore_mem>>)
      %dma_wait3A = arith.constant 0 : i32
      %dma_wait3A_65 = tpu.memref_slice %arg5[%add3A_8, %dma_wait3A] : memref<10240x144xf32, #tpu.memory_space<vmem_shared>> -> memref<112x144xf32, #tpu.memory_space<vmem_shared>>
      %dma_wait3A_66 = arith.constant 0 : i32
      %dma_wait3A_67 = tpu.memref_slice %arg5[%add3A_8, %dma_wait3A_66] : memref<10240x144xf32, #tpu.memory_space<vmem_shared>> -> memref<112x144xf32, #tpu.memory_space<vmem_shared>>
      tpu.wait_dma2 semaphore(%run_scoped3A : memref<!tpu.dma_semaphore, #tpu.memory_space<semaphore_mem>>) src(%arg8 : memref<112x144xf32, #tpu.memory_space<vmem>>) dst(%dma_wait3A_67 : memref<112x144xf32, #tpu.memory_space<vmem_shared>>)
      tpu.yield
    }) : () -> ()
    %add3A_9 = arith.constant 224 : i32
    %add3A_10 = arith.addi %mul3A_0, %add3A_9 : i32
    "tpu.region"() ({
      %run_scoped3A = tpu.sem_alloc : memref<!tpu.dma_semaphore, #tpu.memory_space<semaphore_mem>>
      %dma_start3A = arith.constant 0 : i32
      %dma_start3A_62 = tpu.memref_slice %arg5[%add3A_10, %dma_start3A] : memref<10240x144xf32, #tpu.memory_space<vmem_shared>> -> memref<112x144xf32, #tpu.memory_space<vmem_shared>>
      %dma_start3A_63 = arith.constant 0 : i32
      %dma_start3A_64 = tpu.memref_slice %arg5[%add3A_10, %dma_start3A_63] : memref<10240x144xf32, #tpu.memory_space<vmem_shared>> -> memref<112x144xf32, #tpu.memory_space<vmem_shared>>
      tpu.enqueue_dma source(%arg8 : memref<112x144xf32, #tpu.memory_space<vmem>>) target(%dma_start3A_64 : memref<112x144xf32, #tpu.memory_space<vmem_shared>>) target_semaphore(%run_scoped3A : memref<!tpu.dma_semaphore, #tpu.memory_space<semaphore_mem>>)
      %dma_wait3A = arith.constant 0 : i32
      %dma_wait3A_65 = tpu.memref_slice %arg5[%add3A_10, %dma_wait3A] : memref<10240x144xf32, #tpu.memory_space<vmem_shared>> -> memref<112x144xf32, #tpu.memory_space<vmem_shared>>
      %dma_wait3A_66 = arith.constant 0 : i32
      %dma_wait3A_67 = tpu.memref_slice %arg5[%add3A_10, %dma_wait3A_66] : memref<10240x144xf32, #tpu.memory_space<vmem_shared>> -> memref<112x144xf32, #tpu.memory_space<vmem_shared>>
      tpu.wait_dma2 semaphore(%run_scoped3A : memref<!tpu.dma_semaphore, #tpu.memory_space<semaphore_mem>>) src(%arg8 : memref<112x144xf32, #tpu.memory_space<vmem>>) dst(%dma_wait3A_67 : memref<112x144xf32, #tpu.memory_space<vmem_shared>>)
      tpu.yield
    }) : () -> ()
    %add3A_11 = arith.constant 336 : i32
    %add3A_12 = arith.addi %mul3A_0, %add3A_11 : i32
    "tpu.region"() ({
      %run_scoped3A = tpu.sem_alloc : memref<!tpu.dma_semaphore, #tpu.memory_space<semaphore_mem>>
      %dma_start3A = arith.constant 0 : i32
      %dma_start3A_62 = tpu.memref_slice %arg5[%add3A_12, %dma_start3A] : memref<10240x144xf32, #tpu.memory_space<vmem_shared>> -> memref<112x144xf32, #tpu.memory_space<vmem_shared>>
      %dma_start3A_63 = arith.constant 0 : i32
      %dma_start3A_64 = tpu.memref_slice %arg5[%add3A_12, %dma_start3A_63] : memref<10240x144xf32, #tpu.memory_space<vmem_shared>> -> memref<112x144xf32, #tpu.memory_space<vmem_shared>>
      tpu.enqueue_dma source(%arg8 : memref<112x144xf32, #tpu.memory_space<vmem>>) target(%dma_start3A_64 : memref<112x144xf32, #tpu.memory_space<vmem_shared>>) target_semaphore(%run_scoped3A : memref<!tpu.dma_semaphore, #tpu.memory_space<semaphore_mem>>)
      %dma_wait3A = arith.constant 0 : i32
      %dma_wait3A_65 = tpu.memref_slice %arg5[%add3A_12, %dma_wait3A] : memref<10240x144xf32, #tpu.memory_space<vmem_shared>> -> memref<112x144xf32, #tpu.memory_space<vmem_shared>>
      %dma_wait3A_66 = arith.constant 0 : i32
      %dma_wait3A_67 = tpu.memref_slice %arg5[%add3A_12, %dma_wait3A_66] : memref<10240x144xf32, #tpu.memory_space<vmem_shared>> -> memref<112x144xf32, #tpu.memory_space<vmem_shared>>
      tpu.wait_dma2 semaphore(%run_scoped3A : memref<!tpu.dma_semaphore, #tpu.memory_space<semaphore_mem>>) src(%arg8 : memref<112x144xf32, #tpu.memory_space<vmem>>) dst(%dma_wait3A_67 : memref<112x144xf32, #tpu.memory_space<vmem_shared>>)
      tpu.yield
    }) : () -> ()
    %add3A_13 = arith.constant 448 : i32
    %add3A_14 = arith.addi %mul3A_0, %add3A_13 : i32
    "tpu.region"() ({
      %run_scoped3A = tpu.sem_alloc : memref<!tpu.dma_semaphore, #tpu.memory_space<semaphore_mem>>
      %dma_start3A = arith.constant 0 : i32
      %dma_start3A_62 = tpu.memref_slice %arg5[%add3A_14, %dma_start3A] : memref<10240x144xf32, #tpu.memory_space<vmem_shared>> -> memref<112x144xf32, #tpu.memory_space<vmem_shared>>
      %dma_start3A_63 = arith.constant 0 : i32
      %dma_start3A_64 = tpu.memref_slice %arg5[%add3A_14, %dma_start3A_63] : memref<10240x144xf32, #tpu.memory_space<vmem_shared>> -> memref<112x144xf32, #tpu.memory_space<vmem_shared>>
      tpu.enqueue_dma source(%arg8 : memref<112x144xf32, #tpu.memory_space<vmem>>) target(%dma_start3A_64 : memref<112x144xf32, #tpu.memory_space<vmem_shared>>) target_semaphore(%run_scoped3A : memref<!tpu.dma_semaphore, #tpu.memory_space<semaphore_mem>>)
      %dma_wait3A = arith.constant 0 : i32
      %dma_wait3A_65 = tpu.memref_slice %arg5[%add3A_14, %dma_wait3A] : memref<10240x144xf32, #tpu.memory_space<vmem_shared>> -> memref<112x144xf32, #tpu.memory_space<vmem_shared>>
      %dma_wait3A_66 = arith.constant 0 : i32
      %dma_wait3A_67 = tpu.memref_slice %arg5[%add3A_14, %dma_wait3A_66] : memref<10240x144xf32, #tpu.memory_space<vmem_shared>> -> memref<112x144xf32, #tpu.memory_space<vmem_shared>>
      tpu.wait_dma2 semaphore(%run_scoped3A : memref<!tpu.dma_semaphore, #tpu.memory_space<semaphore_mem>>) src(%arg8 : memref<112x144xf32, #tpu.memory_space<vmem>>) dst(%dma_wait3A_67 : memref<112x144xf32, #tpu.memory_space<vmem_shared>>)
      tpu.yield
    }) : () -> ()
    %add3A_15 = arith.constant 560 : i32
    %add3A_16 = arith.addi %mul3A_0, %add3A_15 : i32
    "tpu.region"() ({
      %run_scoped3A = tpu.sem_alloc : memref<!tpu.dma_semaphore, #tpu.memory_space<semaphore_mem>>
      %dma_start3A = arith.constant 0 : i32
      %dma_start3A_62 = arith.constant 0 : i32
      %dma_start3A_63 = tpu.memref_slice %arg8[%dma_start3A, %dma_start3A_62] : memref<112x144xf32, #tpu.memory_space<vmem>> -> memref<80x144xf32, #tpu.memory_space<vmem>>
      %dma_start3A_64 = arith.constant 0 : i32
      %dma_start3A_65 = tpu.memref_slice %arg5[%add3A_16, %dma_start3A_64] : memref<10240x144xf32, #tpu.memory_space<vmem_shared>> -> memref<80x144xf32, #tpu.memory_space<vmem_shared>>
      %dma_start3A_66 = arith.constant 0 : i32
      %dma_start3A_67 = tpu.memref_slice %arg5[%add3A_16, %dma_start3A_66] : memref<10240x144xf32, #tpu.memory_space<vmem_shared>> -> memref<80x144xf32, #tpu.memory_space<vmem_shared>>
      %dma_start3A_68 = arith.constant 0 : i32
      %dma_start3A_69 = arith.constant 0 : i32
      %dma_start3A_70 = tpu.memref_slice %arg8[%dma_start3A_68, %dma_start3A_69] : memref<112x144xf32, #tpu.memory_space<vmem>> -> memref<80x144xf32, #tpu.memory_space<vmem>>
      tpu.enqueue_dma source(%dma_start3A_70 : memref<80x144xf32, #tpu.memory_space<vmem>>) target(%dma_start3A_67 : memref<80x144xf32, #tpu.memory_space<vmem_shared>>) target_semaphore(%run_scoped3A : memref<!tpu.dma_semaphore, #tpu.memory_space<semaphore_mem>>)
      %dma_wait3A = arith.constant 0 : i32
      %dma_wait3A_71 = arith.constant 0 : i32
      %dma_wait3A_72 = tpu.memref_slice %arg8[%dma_wait3A, %dma_wait3A_71] : memref<112x144xf32, #tpu.memory_space<vmem>> -> memref<80x144xf32, #tpu.memory_space<vmem>>
      %dma_wait3A_73 = arith.constant 0 : i32
      %dma_wait3A_74 = tpu.memref_slice %arg5[%add3A_16, %dma_wait3A_73] : memref<10240x144xf32, #tpu.memory_space<vmem_shared>> -> memref<80x144xf32, #tpu.memory_space<vmem_shared>>
      %dma_wait3A_75 = arith.constant 0 : i32
      %dma_wait3A_76 = tpu.memref_slice %arg5[%add3A_16, %dma_wait3A_75] : memref<10240x144xf32, #tpu.memory_space<vmem_shared>> -> memref<80x144xf32, #tpu.memory_space<vmem_shared>>
      %dma_wait3A_77 = arith.constant 0 : i32
      %dma_wait3A_78 = arith.constant 0 : i32
      %dma_wait3A_79 = tpu.memref_slice %arg8[%dma_wait3A_77, %dma_wait3A_78] : memref<112x144xf32, #tpu.memory_space<vmem>> -> memref<80x144xf32, #tpu.memory_space<vmem>>
      tpu.wait_dma2 semaphore(%run_scoped3A : memref<!tpu.dma_semaphore, #tpu.memory_space<semaphore_mem>>) src(%dma_wait3A_79 : memref<80x144xf32, #tpu.memory_space<vmem>>) dst(%dma_wait3A_76 : memref<80x144xf32, #tpu.memory_space<vmem_shared>>)
      tpu.yield
    }) : () -> ()
    %mul3A_17 = arith.constant 2880 : i32
    %mul3A_18 = arith.muli %arg0, %mul3A_17 : i32
    %mul3A_19 = arith.constant 180 : i32
    %mul3A_20 = arith.muli %arg1, %mul3A_19 : i32
    %add3A_21 = arith.addi %mul3A_18, %mul3A_20 : i32
    %sub3A = arith.constant 1 : i32
    %sub3A_22 = arith.subi %sub3A, %arg0 : i32
    %mul3A_23 = arith.constant 2880 : i32
    %mul3A_24 = arith.muli %sub3A_22, %mul3A_23 : i32
    %mul3A_25 = arith.constant 180 : i32
    %mul3A_26 = arith.muli %arg1, %mul3A_25 : i32
    %add3A_27 = arith.addi %mul3A_24, %mul3A_26 : i32
    %barrier3A = arith.constant 0 : index
    tpu.barrier barrier_id(%barrier3A)
    %scan3A_28 = arith.constant 0 : i32
    %scan3A_29 = arith.constant 0 : i32
    %scan3A_30 = arith.constant 9 : i32
    %scan3A_31 = arith.addi %scan3A_29, %scan3A_30 : i32
    %scan3A_32 = arith.constant 1 : i32
    scf.for %scan3A_62 = %scan3A_29 to %scan3A_31 step %scan3A_32  : i32 {
      %mul3A_63 = arith.constant 20 : i32
      %mul3A_64 = arith.muli %scan3A_62, %mul3A_63 : i32
      %add3A_65 = arith.addi %add3A_21, %mul3A_64 : i32
      "tpu.region"() ({
        %run_scoped3A_366 = tpu.sem_alloc : memref<!tpu.dma_semaphore, #tpu.memory_space<semaphore_mem>>
        %dma_start3A_367 = arith.constant 0 : i32
        %dma_start3A_368 = tpu.memref_slice %arg3[%add3A_65, %dma_start3A_367] : memref<5760x112xi32, #tpu.memory_space<hbm>> -> memref<20x112xi32, #tpu.memory_space<hbm>>
        %dma_start3A_369 = arith.constant 0 : i32
        %dma_start3A_370 = tpu.memref_slice %arg3[%add3A_65, %dma_start3A_369] : memref<5760x112xi32, #tpu.memory_space<hbm>> -> memref<20x112xi32, #tpu.memory_space<hbm>>
        tpu.enqueue_dma source(%dma_start3A_370 : memref<20x112xi32, #tpu.memory_space<hbm>>) target(%arg6 : memref<20x112xi32, #tpu.memory_space<vmem>>) target_semaphore(%run_scoped3A_366 : memref<!tpu.dma_semaphore, #tpu.memory_space<semaphore_mem>>)
        %dma_wait3A_371 = arith.constant 0 : i32
        %dma_wait3A_372 = tpu.memref_slice %arg3[%add3A_65, %dma_wait3A_371] : memref<5760x112xi32, #tpu.memory_space<hbm>> -> memref<20x112xi32, #tpu.memory_space<hbm>>
        %dma_wait3A_373 = arith.constant 0 : i32
        %dma_wait3A_374 = tpu.memref_slice %arg3[%add3A_65, %dma_wait3A_373] : memref<5760x112xi32, #tpu.memory_space<hbm>> -> memref<20x112xi32, #tpu.memory_space<hbm>>
        tpu.wait_dma2 semaphore(%run_scoped3A_366 : memref<!tpu.dma_semaphore, #tpu.memory_space<semaphore_mem>>) src(%dma_wait3A_374 : memref<20x112xi32, #tpu.memory_space<hbm>>) dst(%arg6 : memref<20x112xi32, #tpu.memory_space<vmem>>)
        tpu.yield
      }) : () -> ()
      %mul3A_66 = arith.constant 20 : i32
      %mul3A_67 = arith.muli %scan3A_62, %mul3A_66 : i32
      %add3A_68 = arith.addi %add3A_27, %mul3A_67 : i32
      "tpu.region"() ({
        %run_scoped3A_366 = tpu.sem_alloc : memref<!tpu.dma_semaphore, #tpu.memory_space<semaphore_mem>>
        %dma_start3A_367 = arith.constant 0 : i32
        %dma_start3A_368 = tpu.memref_slice %arg3[%add3A_68, %dma_start3A_367] : memref<5760x112xi32, #tpu.memory_space<hbm>> -> memref<20x112xi32, #tpu.memory_space<hbm>>
        %dma_start3A_369 = arith.constant 0 : i32
        %dma_start3A_370 = tpu.memref_slice %arg3[%add3A_68, %dma_start3A_369] : memref<5760x112xi32, #tpu.memory_space<hbm>> -> memref<20x112xi32, #tpu.memory_space<hbm>>
        tpu.enqueue_dma source(%dma_start3A_370 : memref<20x112xi32, #tpu.memory_space<hbm>>) target(%arg7 : memref<20x112xi32, #tpu.memory_space<vmem>>) target_semaphore(%run_scoped3A_366 : memref<!tpu.dma_semaphore, #tpu.memory_space<semaphore_mem>>)
        %dma_wait3A_371 = arith.constant 0 : i32
        %dma_wait3A_372 = tpu.memref_slice %arg3[%add3A_68, %dma_wait3A_371] : memref<5760x112xi32, #tpu.memory_space<hbm>> -> memref<20x112xi32, #tpu.memory_space<hbm>>
        %dma_wait3A_373 = arith.constant 0 : i32
        %dma_wait3A_374 = tpu.memref_slice %arg3[%add3A_68, %dma_wait3A_373] : memref<5760x112xi32, #tpu.memory_space<hbm>> -> memref<20x112xi32, #tpu.memory_space<hbm>>
        tpu.wait_dma2 semaphore(%run_scoped3A_366 : memref<!tpu.dma_semaphore, #tpu.memory_space<semaphore_mem>>) src(%dma_wait3A_374 : memref<20x112xi32, #tpu.memory_space<hbm>>) dst(%arg7 : memref<20x112xi32, #tpu.memory_space<vmem>>)
        tpu.yield
      }) : () -> ()
      %dma_start3A = arith.constant 0 : i32
      %dma_start3A_69 = arith.constant 0 : i32
      %dma_start3A_70 = tpu.memref_slice %arg6[%dma_start3A, %dma_start3A_69] : memref<20x112xi32, #tpu.memory_space<vmem>> -> memref<1x112xi32, #tpu.memory_space<vmem>>
      %dma_start3A_71 = tpu.memref_squeeze %dma_start3A_70 : memref<1x112xi32, #tpu.memory_space<vmem>> -> memref<112xi32, #tpu.memory_space<vmem>>
      %dma_start3A_72 = arith.constant 0 : i32
      %dma_start3A_73 = arith.constant 0 : i32
      %dma_start3A_74 = tpu.memref_slice %arg2[%dma_start3A_72, %dma_start3A_73] : memref<10240x144xf32, #tpu.memory_space<hbm>> -> memref<10240x144xf32, #tpu.memory_space<hbm>>
      tpu.enqueue_indirect_dma source(%dma_start3A_74 : memref<10240x144xf32, #tpu.memory_space<hbm>>) target(%arg8 : memref<112x144xf32, #tpu.memory_space<vmem>>) offsets(%dma_start3A_71 : memref<112xi32, #tpu.memory_space<vmem>>) semaphore(%arg10 : memref<!tpu.dma_semaphore, #tpu.memory_space<semaphore_mem>>)
      %dma_start3A_75 = arith.constant 1 : i32
      %dma_start3A_76 = arith.constant 0 : i32
      %dma_start3A_77 = tpu.memref_slice %arg6[%dma_start3A_75, %dma_start3A_76] : memref<20x112xi32, #tpu.memory_space<vmem>> -> memref<1x112xi32, #tpu.memory_space<vmem>>
      %dma_start3A_78 = tpu.memref_squeeze %dma_start3A_77 : memref<1x112xi32, #tpu.memory_space<vmem>> -> memref<112xi32, #tpu.memory_space<vmem>>
      %dma_start3A_79 = arith.constant 0 : i32
      %dma_start3A_80 = arith.constant 0 : i32
      %dma_start3A_81 = tpu.memref_slice %arg2[%dma_start3A_79, %dma_start3A_80] : memref<10240x144xf32, #tpu.memory_space<hbm>> -> memref<10240x144xf32, #tpu.memory_space<hbm>>
      tpu.enqueue_indirect_dma source(%dma_start3A_81 : memref<10240x144xf32, #tpu.memory_space<hbm>>) target(%arg9 : memref<112x144xf32, #tpu.memory_space<vmem>>) offsets(%dma_start3A_78 : memref<112xi32, #tpu.memory_space<vmem>>) semaphore(%arg11 : memref<!tpu.dma_semaphore, #tpu.memory_space<semaphore_mem>>)
      %dma_wait3A = arith.constant 0 : i32
      %dma_wait3A_82 = arith.constant 0 : i32
      %dma_wait3A_83 = tpu.memref_slice %arg6[%dma_wait3A, %dma_wait3A_82] : memref<20x112xi32, #tpu.memory_space<vmem>> -> memref<1x112xi32, #tpu.memory_space<vmem>>
      %dma_wait3A_84 = tpu.memref_squeeze %dma_wait3A_83 : memref<1x112xi32, #tpu.memory_space<vmem>> -> memref<112xi32, #tpu.memory_space<vmem>>
      %dma_wait3A_85 = arith.constant 0 : i32
      %dma_wait3A_86 = arith.constant 0 : i32
      %dma_wait3A_87 = tpu.memref_slice %arg2[%dma_wait3A_85, %dma_wait3A_86] : memref<10240x144xf32, #tpu.memory_space<hbm>> -> memref<10240x144xf32, #tpu.memory_space<hbm>>
      tpu.wait_indirect_dma semaphore(%arg10 : memref<!tpu.dma_semaphore, #tpu.memory_space<semaphore_mem>>) src(%dma_wait3A_87 : memref<10240x144xf32, #tpu.memory_space<hbm>>) dst(%arg8 : memref<112x144xf32, #tpu.memory_space<vmem>>)
      %run_scoped3A = arith.constant 0 : i32
      "tpu.region"() ({
        %run_scoped3A_366 = tpu.sem_alloc : memref<!tpu.dma_semaphore, #tpu.memory_space<semaphore_mem>>
        %dma_start3A_367 = arith.constant 0 : i32
        %dma_start3A_368 = tpu.memref_slice %arg7[%run_scoped3A, %dma_start3A_367] : memref<20x112xi32, #tpu.memory_space<vmem>> -> memref<1x112xi32, #tpu.memory_space<vmem>>
        %dma_start3A_369 = tpu.memref_squeeze %dma_start3A_368 : memref<1x112xi32, #tpu.memory_space<vmem>> -> memref<112xi32, #tpu.memory_space<vmem>>
        %dma_start3A_370 = arith.constant 0 : i32
        %dma_start3A_371 = arith.constant 0 : i32
        %dma_start3A_372 = tpu.memref_slice %arg5[%dma_start3A_370, %dma_start3A_371] : memref<10240x144xf32, #tpu.memory_space<vmem_shared>> -> memref<10240x144xf32, #tpu.memory_space<vmem_shared>>
        tpu.enqueue_indirect_dma source(%arg8 : memref<112x144xf32, #tpu.memory_space<vmem>>) target(%dma_start3A_372 : memref<10240x144xf32, #tpu.memory_space<vmem_shared>>) offsets(%dma_start3A_369 : memref<112xi32, #tpu.memory_space<vmem>>) semaphore(%run_scoped3A_366 : memref<!tpu.dma_semaphore, #tpu.memory_space<semaphore_mem>>) {add = true}
        %dma_wait3A_373 = arith.constant 0 : i32
        %dma_wait3A_374 = tpu.memref_slice %arg7[%run_scoped3A, %dma_wait3A_373] : memref<20x112xi32, #tpu.memory_space<vmem>> -> memref<1x112xi32, #tpu.memory_space<vmem>>
        %dma_wait3A_375 = tpu.memref_squeeze %dma_wait3A_374 : memref<1x112xi32, #tpu.memory_space<vmem>> -> memref<112xi32, #tpu.memory_space<vmem>>
        %dma_wait3A_376 = arith.constant 0 : i32
        %dma_wait3A_377 = arith.constant 0 : i32
        %dma_wait3A_378 = tpu.memref_slice %arg5[%dma_wait3A_376, %dma_wait3A_377] : memref<10240x144xf32, #tpu.memory_space<vmem_shared>> -> memref<10240x144xf32, #tpu.memory_space<vmem_shared>>
        tpu.wait_indirect_dma semaphore(%run_scoped3A_366 : memref<!tpu.dma_semaphore, #tpu.memory_space<semaphore_mem>>) src(%arg8 : memref<112x144xf32, #tpu.memory_space<vmem>>) dst(%dma_wait3A_378 : memref<10240x144xf32, #tpu.memory_space<vmem_shared>>)
        tpu.yield
      }) : () -> ()
      %dma_start3A_88 = arith.constant 2 : i32
      %dma_start3A_89 = arith.constant 0 : i32
      %dma_start3A_90 = tpu.memref_slice %arg6[%dma_start3A_88, %dma_start3A_89] : memref<20x112xi32, #tpu.memory_space<vmem>> -> memref<1x112xi32, #tpu.memory_space<vmem>>
      %dma_start3A_91 = tpu.memref_squeeze %dma_start3A_90 : memref<1x112xi32, #tpu.memory_space<vmem>> -> memref<112xi32, #tpu.memory_space<vmem>>
      %dma_start3A_92 = arith.constant 0 : i32
      %dma_start3A_93 = arith.constant 0 : i32
      %dma_start3A_94 = tpu.memref_slice %arg2[%dma_start3A_92, %dma_start3A_93] : memref<10240x144xf32, #tpu.memory_space<hbm>> -> memref<10240x144xf32, #tpu.memory_space<hbm>>
      tpu.enqueue_indirect_dma source(%dma_start3A_94 : memref<10240x144xf32, #tpu.memory_space<hbm>>) target(%arg8 : memref<112x144xf32, #tpu.memory_space<vmem>>) offsets(%dma_start3A_91 : memref<112xi32, #tpu.memory_space<vmem>>) semaphore(%arg10 : memref<!tpu.dma_semaphore, #tpu.memory_space<semaphore_mem>>)
      %dma_wait3A_95 = arith.constant 1 : i32
      %dma_wait3A_96 = arith.constant 0 : i32
      %dma_wait3A_97 = tpu.memref_slice %arg6[%dma_wait3A_95, %dma_wait3A_96] : memref<20x112xi32, #tpu.memory_space<vmem>> -> memref<1x112xi32, #tpu.memory_space<vmem>>
      %dma_wait3A_98 = tpu.memref_squeeze %dma_wait3A_97 : memref<1x112xi32, #tpu.memory_space<vmem>> -> memref<112xi32, #tpu.memory_space<vmem>>
      %dma_wait3A_99 = arith.constant 0 : i32
      %dma_wait3A_100 = arith.constant 0 : i32
      %dma_wait3A_101 = tpu.memref_slice %arg2[%dma_wait3A_99, %dma_wait3A_100] : memref<10240x144xf32, #tpu.memory_space<hbm>> -> memref<10240x144xf32, #tpu.memory_space<hbm>>
      tpu.wait_indirect_dma semaphore(%arg11 : memref<!tpu.dma_semaphore, #tpu.memory_space<semaphore_mem>>) src(%dma_wait3A_101 : memref<10240x144xf32, #tpu.memory_space<hbm>>) dst(%arg9 : memref<112x144xf32, #tpu.memory_space<vmem>>)
      %run_scoped3A_102 = arith.constant 1 : i32
      "tpu.region"() ({
        %run_scoped3A_366 = tpu.sem_alloc : memref<!tpu.dma_semaphore, #tpu.memory_space<semaphore_mem>>
        %dma_start3A_367 = arith.constant 0 : i32
        %dma_start3A_368 = tpu.memref_slice %arg7[%run_scoped3A_102, %dma_start3A_367] : memref<20x112xi32, #tpu.memory_space<vmem>> -> memref<1x112xi32, #tpu.memory_space<vmem>>
        %dma_start3A_369 = tpu.memref_squeeze %dma_start3A_368 : memref<1x112xi32, #tpu.memory_space<vmem>> -> memref<112xi32, #tpu.memory_space<vmem>>
        %dma_start3A_370 = arith.constant 0 : i32
        %dma_start3A_371 = arith.constant 0 : i32
        %dma_start3A_372 = tpu.memref_slice %arg5[%dma_start3A_370, %dma_start3A_371] : memref<10240x144xf32, #tpu.memory_space<vmem_shared>> -> memref<10240x144xf32, #tpu.memory_space<vmem_shared>>
        tpu.enqueue_indirect_dma source(%arg9 : memref<112x144xf32, #tpu.memory_space<vmem>>) target(%dma_start3A_372 : memref<10240x144xf32, #tpu.memory_space<vmem_shared>>) offsets(%dma_start3A_369 : memref<112xi32, #tpu.memory_space<vmem>>) semaphore(%run_scoped3A_366 : memref<!tpu.dma_semaphore, #tpu.memory_space<semaphore_mem>>) {add = true}
        %dma_wait3A_373 = arith.constant 0 : i32
        %dma_wait3A_374 = tpu.memref_slice %arg7[%run_scoped3A_102, %dma_wait3A_373] : memref<20x112xi32, #tpu.memory_space<vmem>> -> memref<1x112xi32, #tpu.memory_space<vmem>>
        %dma_wait3A_375 = tpu.memref_squeeze %dma_wait3A_374 : memref<1x112xi32, #tpu.memory_space<vmem>> -> memref<112xi32, #tpu.memory_space<vmem>>
        %dma_wait3A_376 = arith.constant 0 : i32
        %dma_wait3A_377 = arith.constant 0 : i32
        %dma_wait3A_378 = tpu.memref_slice %arg5[%dma_wait3A_376, %dma_wait3A_377] : memref<10240x144xf32, #tpu.memory_space<vmem_shared>> -> memref<10240x144xf32, #tpu.memory_space<vmem_shared>>
        tpu.wait_indirect_dma semaphore(%run_scoped3A_366 : memref<!tpu.dma_semaphore, #tpu.memory_space<semaphore_mem>>) src(%arg9 : memref<112x144xf32, #tpu.memory_space<vmem>>) dst(%dma_wait3A_378 : memref<10240x144xf32, #tpu.memory_space<vmem_shared>>)
        tpu.yield
      }) : () -> ()
      %dma_start3A_103 = arith.constant 3 : i32
      %dma_start3A_104 = arith.constant 0 : i32
      %dma_start3A_105 = tpu.memref_slice %arg6[%dma_start3A_103, %dma_start3A_104] : memref<20x112xi32, #tpu.memory_space<vmem>> -> memref<1x112xi32, #tpu.memory_space<vmem>>
      %dma_start3A_106 = tpu.memref_squeeze %dma_start3A_105 : memref<1x112xi32, #tpu.memory_space<vmem>> -> memref<112xi32, #tpu.memory_space<vmem>>
      %dma_start3A_107 = arith.constant 0 : i32
      %dma_start3A_108 = arith.constant 0 : i32
      %dma_start3A_109 = tpu.memref_slice %arg2[%dma_start3A_107, %dma_start3A_108] : memref<10240x144xf32, #tpu.memory_space<hbm>> -> memref<10240x144xf32, #tpu.memory_space<hbm>>
      tpu.enqueue_indirect_dma source(%dma_start3A_109 : memref<10240x144xf32, #tpu.memory_space<hbm>>) target(%arg9 : memref<112x144xf32, #tpu.memory_space<vmem>>) offsets(%dma_start3A_106 : memref<112xi32, #tpu.memory_space<vmem>>) semaphore(%arg11 : memref<!tpu.dma_semaphore, #tpu.memory_space<semaphore_mem>>)
      %dma_wait3A_110 = arith.constant 2 : i32
      %dma_wait3A_111 = arith.constant 0 : i32
      %dma_wait3A_112 = tpu.memref_slice %arg6[%dma_wait3A_110, %dma_wait3A_111] : memref<20x112xi32, #tpu.memory_space<vmem>> -> memref<1x112xi32, #tpu.memory_space<vmem>>
      %dma_wait3A_113 = tpu.memref_squeeze %dma_wait3A_112 : memref<1x112xi32, #tpu.memory_space<vmem>> -> memref<112xi32, #tpu.memory_space<vmem>>
      %dma_wait3A_114 = arith.constant 0 : i32
      %dma_wait3A_115 = arith.constant 0 : i32
      %dma_wait3A_116 = tpu.memref_slice %arg2[%dma_wait3A_114, %dma_wait3A_115] : memref<10240x144xf32, #tpu.memory_space<hbm>> -> memref<10240x144xf32, #tpu.memory_space<hbm>>
      tpu.wait_indirect_dma semaphore(%arg10 : memref<!tpu.dma_semaphore, #tpu.memory_space<semaphore_mem>>) src(%dma_wait3A_116 : memref<10240x144xf32, #tpu.memory_space<hbm>>) dst(%arg8 : memref<112x144xf32, #tpu.memory_space<vmem>>)
      %run_scoped3A_117 = arith.constant 2 : i32
      "tpu.region"() ({
        %run_scoped3A_366 = tpu.sem_alloc : memref<!tpu.dma_semaphore, #tpu.memory_space<semaphore_mem>>
        %dma_start3A_367 = arith.constant 0 : i32
        %dma_start3A_368 = tpu.memref_slice %arg7[%run_scoped3A_117, %dma_start3A_367] : memref<20x112xi32, #tpu.memory_space<vmem>> -> memref<1x112xi32, #tpu.memory_space<vmem>>
        %dma_start3A_369 = tpu.memref_squeeze %dma_start3A_368 : memref<1x112xi32, #tpu.memory_space<vmem>> -> memref<112xi32, #tpu.memory_space<vmem>>
        %dma_start3A_370 = arith.constant 0 : i32
        %dma_start3A_371 = arith.constant 0 : i32
        %dma_start3A_372 = tpu.memref_slice %arg5[%dma_start3A_370, %dma_start3A_371] : memref<10240x144xf32, #tpu.memory_space<vmem_shared>> -> memref<10240x144xf32, #tpu.memory_space<vmem_shared>>
        tpu.enqueue_indirect_dma source(%arg8 : memref<112x144xf32, #tpu.memory_space<vmem>>) target(%dma_start3A_372 : memref<10240x144xf32, #tpu.memory_space<vmem_shared>>) offsets(%dma_start3A_369 : memref<112xi32, #tpu.memory_space<vmem>>) semaphore(%run_scoped3A_366 : memref<!tpu.dma_semaphore, #tpu.memory_space<semaphore_mem>>) {add = true}
        %dma_wait3A_373 = arith.constant 0 : i32
        %dma_wait3A_374 = tpu.memref_slice %arg7[%run_scoped3A_117, %dma_wait3A_373] : memref<20x112xi32, #tpu.memory_space<vmem>> -> memref<1x112xi32, #tpu.memory_space<vmem>>
        %dma_wait3A_375 = tpu.memref_squeeze %dma_wait3A_374 : memref<1x112xi32, #tpu.memory_space<vmem>> -> memref<112xi32, #tpu.memory_space<vmem>>
        %dma_wait3A_376 = arith.constant 0 : i32
        %dma_wait3A_377 = arith.constant 0 : i32
        %dma_wait3A_378 = tpu.memref_slice %arg5[%dma_wait3A_376, %dma_wait3A_377] : memref<10240x144xf32, #tpu.memory_space<vmem_shared>> -> memref<10240x144xf32, #tpu.memory_space<vmem_shared>>
        tpu.wait_indirect_dma semaphore(%run_scoped3A_366 : memref<!tpu.dma_semaphore, #tpu.memory_space<semaphore_mem>>) src(%arg8 : memref<112x144xf32, #tpu.memory_space<vmem>>) dst(%dma_wait3A_378 : memref<10240x144xf32, #tpu.memory_space<vmem_shared>>)
        tpu.yield
      }) : () -> ()
      %dma_start3A_118 = arith.constant 4 : i32
      %dma_start3A_119 = arith.constant 0 : i32
      %dma_start3A_120 = tpu.memref_slice %arg6[%dma_start3A_118, %dma_start3A_119] : memref<20x112xi32, #tpu.memory_space<vmem>> -> memref<1x112xi32, #tpu.memory_space<vmem>>
      %dma_start3A_121 = tpu.memref_squeeze %dma_start3A_120 : memref<1x112xi32, #tpu.memory_space<vmem>> -> memref<112xi32, #tpu.memory_space<vmem>>
      %dma_start3A_122 = arith.constant 0 : i32
      %dma_start3A_123 = arith.constant 0 : i32
      %dma_start3A_124 = tpu.memref_slice %arg2[%dma_start3A_122, %dma_start3A_123] : memref<10240x144xf32, #tpu.memory_space<hbm>> -> memref<10240x144xf32, #tpu.memory_space<hbm>>
      tpu.enqueue_indirect_dma source(%dma_start3A_124 : memref<10240x144xf32, #tpu.memory_space<hbm>>) target(%arg8 : memref<112x144xf32, #tpu.memory_space<vmem>>) offsets(%dma_start3A_121 : memref<112xi32, #tpu.memory_space<vmem>>) semaphore(%arg10 : memref<!tpu.dma_semaphore, #tpu.memory_space<semaphore_mem>>)
      %dma_wait3A_125 = arith.constant 3 : i32
      %dma_wait3A_126 = arith.constant 0 : i32
      %dma_wait3A_127 = tpu.memref_slice %arg6[%dma_wait3A_125, %dma_wait3A_126] : memref<20x112xi32, #tpu.memory_space<vmem>> -> memref<1x112xi32, #tpu.memory_space<vmem>>
      %dma_wait3A_128 = tpu.memref_squeeze %dma_wait3A_127 : memref<1x112xi32, #tpu.memory_space<vmem>> -> memref<112xi32, #tpu.memory_space<vmem>>
      %dma_wait3A_129 = arith.constant 0 : i32
      %dma_wait3A_130 = arith.constant 0 : i32
      %dma_wait3A_131 = tpu.memref_slice %arg2[%dma_wait3A_129, %dma_wait3A_130] : memref<10240x144xf32, #tpu.memory_space<hbm>> -> memref<10240x144xf32, #tpu.memory_space<hbm>>
      tpu.wait_indirect_dma semaphore(%arg11 : memref<!tpu.dma_semaphore, #tpu.memory_space<semaphore_mem>>) src(%dma_wait3A_131 : memref<10240x144xf32, #tpu.memory_space<hbm>>) dst(%arg9 : memref<112x144xf32, #tpu.memory_space<vmem>>)
      %run_scoped3A_132 = arith.constant 3 : i32
      "tpu.region"() ({
        %run_scoped3A_366 = tpu.sem_alloc : memref<!tpu.dma_semaphore, #tpu.memory_space<semaphore_mem>>
        %dma_start3A_367 = arith.constant 0 : i32
        %dma_start3A_368 = tpu.memref_slice %arg7[%run_scoped3A_132, %dma_start3A_367] : memref<20x112xi32, #tpu.memory_space<vmem>> -> memref<1x112xi32, #tpu.memory_space<vmem>>
        %dma_start3A_369 = tpu.memref_squeeze %dma_start3A_368 : memref<1x112xi32, #tpu.memory_space<vmem>> -> memref<112xi32, #tpu.memory_space<vmem>>
        %dma_start3A_370 = arith.constant 0 : i32
        %dma_start3A_371 = arith.constant 0 : i32
        %dma_start3A_372 = tpu.memref_slice %arg5[%dma_start3A_370, %dma_start3A_371] : memref<10240x144xf32, #tpu.memory_space<vmem_shared>> -> memref<10240x144xf32, #tpu.memory_space<vmem_shared>>
        tpu.enqueue_indirect_dma source(%arg9 : memref<112x144xf32, #tpu.memory_space<vmem>>) target(%dma_start3A_372 : memref<10240x144xf32, #tpu.memory_space<vmem_shared>>) offsets(%dma_start3A_369 : memref<112xi32, #tpu.memory_space<vmem>>) semaphore(%run_scoped3A_366 : memref<!tpu.dma_semaphore, #tpu.memory_space<semaphore_mem>>) {add = true}
        %dma_wait3A_373 = arith.constant 0 : i32
        %dma_wait3A_374 = tpu.memref_slice %arg7[%run_scoped3A_132, %dma_wait3A_373] : memref<20x112xi32, #tpu.memory_space<vmem>> -> memref<1x112xi32, #tpu.memory_space<vmem>>
        %dma_wait3A_375 = tpu.memref_squeeze %dma_wait3A_374 : memref<1x112xi32, #tpu.memory_space<vmem>> -> memref<112xi32, #tpu.memory_space<vmem>>
        %dma_wait3A_376 = arith.constant 0 : i32
        %dma_wait3A_377 = arith.constant 0 : i32
        %dma_wait3A_378 = tpu.memref_slice %arg5[%dma_wait3A_376, %dma_wait3A_377] : memref<10240x144xf32, #tpu.memory_space<vmem_shared>> -> memref<10240x144xf32, #tpu.memory_space<vmem_shared>>
        tpu.wait_indirect_dma semaphore(%run_scoped3A_366 : memref<!tpu.dma_semaphore, #tpu.memory_space<semaphore_mem>>) src(%arg9 : memref<112x144xf32, #tpu.memory_space<vmem>>) dst(%dma_wait3A_378 : memref<10240x144xf32, #tpu.memory_space<vmem_shared>>)
        tpu.yield
      }) : () -> ()
      %dma_start3A_133 = arith.constant 5 : i32
      %dma_start3A_134 = arith.constant 0 : i32
      %dma_start3A_135 = tpu.memref_slice %arg6[%dma_start3A_133, %dma_start3A_134] : memref<20x112xi32, #tpu.memory_space<vmem>> -> memref<1x112xi32, #tpu.memory_space<vmem>>
      %dma_start3A_136 = tpu.memref_squeeze %dma_start3A_135 : memref<1x112xi32, #tpu.memory_space<vmem>> -> memref<112xi32, #tpu.memory_space<vmem>>
      %dma_start3A_137 = arith.constant 0 : i32
      %dma_start3A_138 = arith.constant 0 : i32
      %dma_start3A_139 = tpu.memref_slice %arg2[%dma_start3A_137, %dma_start3A_138] : memref<10240x144xf32, #tpu.memory_space<hbm>> -> memref<10240x144xf32, #tpu.memory_space<hbm>>
      tpu.enqueue_indirect_dma source(%dma_start3A_139 : memref<10240x144xf32, #tpu.memory_space<hbm>>) target(%arg9 : memref<112x144xf32, #tpu.memory_space<vmem>>) offsets(%dma_start3A_136 : memref<112xi32, #tpu.memory_space<vmem>>) semaphore(%arg11 : memref<!tpu.dma_semaphore, #tpu.memory_space<semaphore_mem>>)
      %dma_wait3A_140 = arith.constant 4 : i32
      %dma_wait3A_141 = arith.constant 0 : i32
      %dma_wait3A_142 = tpu.memref_slice %arg6[%dma_wait3A_140, %dma_wait3A_141] : memref<20x112xi32, #tpu.memory_space<vmem>> -> memref<1x112xi32, #tpu.memory_space<vmem>>
      %dma_wait3A_143 = tpu.memref_squeeze %dma_wait3A_142 : memref<1x112xi32, #tpu.memory_space<vmem>> -> memref<112xi32, #tpu.memory_space<vmem>>
      %dma_wait3A_144 = arith.constant 0 : i32
      %dma_wait3A_145 = arith.constant 0 : i32
      %dma_wait3A_146 = tpu.memref_slice %arg2[%dma_wait3A_144, %dma_wait3A_145] : memref<10240x144xf32, #tpu.memory_space<hbm>> -> memref<10240x144xf32, #tpu.memory_space<hbm>>
      tpu.wait_indirect_dma semaphore(%arg10 : memref<!tpu.dma_semaphore, #tpu.memory_space<semaphore_mem>>) src(%dma_wait3A_146 : memref<10240x144xf32, #tpu.memory_space<hbm>>) dst(%arg8 : memref<112x144xf32, #tpu.memory_space<vmem>>)
      %run_scoped3A_147 = arith.constant 4 : i32
      "tpu.region"() ({
        %run_scoped3A_366 = tpu.sem_alloc : memref<!tpu.dma_semaphore, #tpu.memory_space<semaphore_mem>>
        %dma_start3A_367 = arith.constant 0 : i32
        %dma_start3A_368 = tpu.memref_slice %arg7[%run_scoped3A_147, %dma_start3A_367] : memref<20x112xi32, #tpu.memory_space<vmem>> -> memref<1x112xi32, #tpu.memory_space<vmem>>
        %dma_start3A_369 = tpu.memref_squeeze %dma_start3A_368 : memref<1x112xi32, #tpu.memory_space<vmem>> -> memref<112xi32, #tpu.memory_space<vmem>>
        %dma_start3A_370 = arith.constant 0 : i32
        %dma_start3A_371 = arith.constant 0 : i32
        %dma_start3A_372 = tpu.memref_slice %arg5[%dma_start3A_370, %dma_start3A_371] : memref<10240x144xf32, #tpu.memory_space<vmem_shared>> -> memref<10240x144xf32, #tpu.memory_space<vmem_shared>>
        tpu.enqueue_indirect_dma source(%arg8 : memref<112x144xf32, #tpu.memory_space<vmem>>) target(%dma_start3A_372 : memref<10240x144xf32, #tpu.memory_space<vmem_shared>>) offsets(%dma_start3A_369 : memref<112xi32, #tpu.memory_space<vmem>>) semaphore(%run_scoped3A_366 : memref<!tpu.dma_semaphore, #tpu.memory_space<semaphore_mem>>) {add = true}
        %dma_wait3A_373 = arith.constant 0 : i32
        %dma_wait3A_374 = tpu.memref_slice %arg7[%run_scoped3A_147, %dma_wait3A_373] : memref<20x112xi32, #tpu.memory_space<vmem>> -> memref<1x112xi32, #tpu.memory_space<vmem>>
        %dma_wait3A_375 = tpu.memref_squeeze %dma_wait3A_374 : memref<1x112xi32, #tpu.memory_space<vmem>> -> memref<112xi32, #tpu.memory_space<vmem>>
        %dma_wait3A_376 = arith.constant 0 : i32
        %dma_wait3A_377 = arith.constant 0 : i32
        %dma_wait3A_378 = tpu.memref_slice %arg5[%dma_wait3A_376, %dma_wait3A_377] : memref<10240x144xf32, #tpu.memory_space<vmem_shared>> -> memref<10240x144xf32, #tpu.memory_space<vmem_shared>>
        tpu.wait_indirect_dma semaphore(%run_scoped3A_366 : memref<!tpu.dma_semaphore, #tpu.memory_space<semaphore_mem>>) src(%arg8 : memref<112x144xf32, #tpu.memory_space<vmem>>) dst(%dma_wait3A_378 : memref<10240x144xf32, #tpu.memory_space<vmem_shared>>)
        tpu.yield
      }) : () -> ()
      %dma_start3A_148 = arith.constant 6 : i32
      %dma_start3A_149 = arith.constant 0 : i32
      %dma_start3A_150 = tpu.memref_slice %arg6[%dma_start3A_148, %dma_start3A_149] : memref<20x112xi32, #tpu.memory_space<vmem>> -> memref<1x112xi32, #tpu.memory_space<vmem>>
      %dma_start3A_151 = tpu.memref_squeeze %dma_start3A_150 : memref<1x112xi32, #tpu.memory_space<vmem>> -> memref<112xi32, #tpu.memory_space<vmem>>
      %dma_start3A_152 = arith.constant 0 : i32
      %dma_start3A_153 = arith.constant 0 : i32
      %dma_start3A_154 = tpu.memref_slice %arg2[%dma_start3A_152, %dma_start3A_153] : memref<10240x144xf32, #tpu.memory_space<hbm>> -> memref<10240x144xf32, #tpu.memory_space<hbm>>
      tpu.enqueue_indirect_dma source(%dma_start3A_154 : memref<10240x144xf32, #tpu.memory_space<hbm>>) target(%arg8 : memref<112x144xf32, #tpu.memory_space<vmem>>) offsets(%dma_start3A_151 : memref<112xi32, #tpu.memory_space<vmem>>) semaphore(%arg10 : memref<!tpu.dma_semaphore, #tpu.memory_space<semaphore_mem>>)
      %dma_wait3A_155 = arith.constant 5 : i32
      %dma_wait3A_156 = arith.constant 0 : i32
      %dma_wait3A_157 = tpu.memref_slice %arg6[%dma_wait3A_155, %dma_wait3A_156] : memref<20x112xi32, #tpu.memory_space<vmem>> -> memref<1x112xi32, #tpu.memory_space<vmem>>
      %dma_wait3A_158 = tpu.memref_squeeze %dma_wait3A_157 : memref<1x112xi32, #tpu.memory_space<vmem>> -> memref<112xi32, #tpu.memory_space<vmem>>
      %dma_wait3A_159 = arith.constant 0 : i32
      %dma_wait3A_160 = arith.constant 0 : i32
      %dma_wait3A_161 = tpu.memref_slice %arg2[%dma_wait3A_159, %dma_wait3A_160] : memref<10240x144xf32, #tpu.memory_space<hbm>> -> memref<10240x144xf32, #tpu.memory_space<hbm>>
      tpu.wait_indirect_dma semaphore(%arg11 : memref<!tpu.dma_semaphore, #tpu.memory_space<semaphore_mem>>) src(%dma_wait3A_161 : memref<10240x144xf32, #tpu.memory_space<hbm>>) dst(%arg9 : memref<112x144xf32, #tpu.memory_space<vmem>>)
      %run_scoped3A_162 = arith.constant 5 : i32
      "tpu.region"() ({
        %run_scoped3A_366 = tpu.sem_alloc : memref<!tpu.dma_semaphore, #tpu.memory_space<semaphore_mem>>
        %dma_start3A_367 = arith.constant 0 : i32
        %dma_start3A_368 = tpu.memref_slice %arg7[%run_scoped3A_162, %dma_start3A_367] : memref<20x112xi32, #tpu.memory_space<vmem>> -> memref<1x112xi32, #tpu.memory_space<vmem>>
        %dma_start3A_369 = tpu.memref_squeeze %dma_start3A_368 : memref<1x112xi32, #tpu.memory_space<vmem>> -> memref<112xi32, #tpu.memory_space<vmem>>
        %dma_start3A_370 = arith.constant 0 : i32
        %dma_start3A_371 = arith.constant 0 : i32
        %dma_start3A_372 = tpu.memref_slice %arg5[%dma_start3A_370, %dma_start3A_371] : memref<10240x144xf32, #tpu.memory_space<vmem_shared>> -> memref<10240x144xf32, #tpu.memory_space<vmem_shared>>
        tpu.enqueue_indirect_dma source(%arg9 : memref<112x144xf32, #tpu.memory_space<vmem>>) target(%dma_start3A_372 : memref<10240x144xf32, #tpu.memory_space<vmem_shared>>) offsets(%dma_start3A_369 : memref<112xi32, #tpu.memory_space<vmem>>) semaphore(%run_scoped3A_366 : memref<!tpu.dma_semaphore, #tpu.memory_space<semaphore_mem>>) {add = true}
        %dma_wait3A_373 = arith.constant 0 : i32
        %dma_wait3A_374 = tpu.memref_slice %arg7[%run_scoped3A_162, %dma_wait3A_373] : memref<20x112xi32, #tpu.memory_space<vmem>> -> memref<1x112xi32, #tpu.memory_space<vmem>>
        %dma_wait3A_375 = tpu.memref_squeeze %dma_wait3A_374 : memref<1x112xi32, #tpu.memory_space<vmem>> -> memref<112xi32, #tpu.memory_space<vmem>>
        %dma_wait3A_376 = arith.constant 0 : i32
        %dma_wait3A_377 = arith.constant 0 : i32
        %dma_wait3A_378 = tpu.memref_slice %arg5[%dma_wait3A_376, %dma_wait3A_377] : memref<10240x144xf32, #tpu.memory_space<vmem_shared>> -> memref<10240x144xf32, #tpu.memory_space<vmem_shared>>
        tpu.wait_indirect_dma semaphore(%run_scoped3A_366 : memref<!tpu.dma_semaphore, #tpu.memory_space<semaphore_mem>>) src(%arg9 : memref<112x144xf32, #tpu.memory_space<vmem>>) dst(%dma_wait3A_378 : memref<10240x144xf32, #tpu.memory_space<vmem_shared>>)
        tpu.yield
      }) : () -> ()
      %dma_start3A_163 = arith.constant 7 : i32
      %dma_start3A_164 = arith.constant 0 : i32
      %dma_start3A_165 = tpu.memref_slice %arg6[%dma_start3A_163, %dma_start3A_164] : memref<20x112xi32, #tpu.memory_space<vmem>> -> memref<1x112xi32, #tpu.memory_space<vmem>>
      %dma_start3A_166 = tpu.memref_squeeze %dma_start3A_165 : memref<1x112xi32, #tpu.memory_space<vmem>> -> memref<112xi32, #tpu.memory_space<vmem>>
      %dma_start3A_167 = arith.constant 0 : i32
      %dma_start3A_168 = arith.constant 0 : i32
      %dma_start3A_169 = tpu.memref_slice %arg2[%dma_start3A_167, %dma_start3A_168] : memref<10240x144xf32, #tpu.memory_space<hbm>> -> memref<10240x144xf32, #tpu.memory_space<hbm>>
      tpu.enqueue_indirect_dma source(%dma_start3A_169 : memref<10240x144xf32, #tpu.memory_space<hbm>>) target(%arg9 : memref<112x144xf32, #tpu.memory_space<vmem>>) offsets(%dma_start3A_166 : memref<112xi32, #tpu.memory_space<vmem>>) semaphore(%arg11 : memref<!tpu.dma_semaphore, #tpu.memory_space<semaphore_mem>>)
      %dma_wait3A_170 = arith.constant 6 : i32
      %dma_wait3A_171 = arith.constant 0 : i32
      %dma_wait3A_172 = tpu.memref_slice %arg6[%dma_wait3A_170, %dma_wait3A_171] : memref<20x112xi32, #tpu.memory_space<vmem>> -> memref<1x112xi32, #tpu.memory_space<vmem>>
      %dma_wait3A_173 = tpu.memref_squeeze %dma_wait3A_172 : memref<1x112xi32, #tpu.memory_space<vmem>> -> memref<112xi32, #tpu.memory_space<vmem>>
      %dma_wait3A_174 = arith.constant 0 : i32
      %dma_wait3A_175 = arith.constant 0 : i32
      %dma_wait3A_176 = tpu.memref_slice %arg2[%dma_wait3A_174, %dma_wait3A_175] : memref<10240x144xf32, #tpu.memory_space<hbm>> -> memref<10240x144xf32, #tpu.memory_space<hbm>>
      tpu.wait_indirect_dma semaphore(%arg10 : memref<!tpu.dma_semaphore, #tpu.memory_space<semaphore_mem>>) src(%dma_wait3A_176 : memref<10240x144xf32, #tpu.memory_space<hbm>>) dst(%arg8 : memref<112x144xf32, #tpu.memory_space<vmem>>)
      %run_scoped3A_177 = arith.constant 6 : i32
      "tpu.region"() ({
        %run_scoped3A_366 = tpu.sem_alloc : memref<!tpu.dma_semaphore, #tpu.memory_space<semaphore_mem>>
        %dma_start3A_367 = arith.constant 0 : i32
        %dma_start3A_368 = tpu.memref_slice %arg7[%run_scoped3A_177, %dma_start3A_367] : memref<20x112xi32, #tpu.memory_space<vmem>> -> memref<1x112xi32, #tpu.memory_space<vmem>>
        %dma_start3A_369 = tpu.memref_squeeze %dma_start3A_368 : memref<1x112xi32, #tpu.memory_space<vmem>> -> memref<112xi32, #tpu.memory_space<vmem>>
        %dma_start3A_370 = arith.constant 0 : i32
        %dma_start3A_371 = arith.constant 0 : i32
        %dma_start3A_372 = tpu.memref_slice %arg5[%dma_start3A_370, %dma_start3A_371] : memref<10240x144xf32, #tpu.memory_space<vmem_shared>> -> memref<10240x144xf32, #tpu.memory_space<vmem_shared>>
        tpu.enqueue_indirect_dma source(%arg8 : memref<112x144xf32, #tpu.memory_space<vmem>>) target(%dma_start3A_372 : memref<10240x144xf32, #tpu.memory_space<vmem_shared>>) offsets(%dma_start3A_369 : memref<112xi32, #tpu.memory_space<vmem>>) semaphore(%run_scoped3A_366 : memref<!tpu.dma_semaphore, #tpu.memory_space<semaphore_mem>>) {add = true}
        %dma_wait3A_373 = arith.constant 0 : i32
        %dma_wait3A_374 = tpu.memref_slice %arg7[%run_scoped3A_177, %dma_wait3A_373] : memref<20x112xi32, #tpu.memory_space<vmem>> -> memref<1x112xi32, #tpu.memory_space<vmem>>
        %dma_wait3A_375 = tpu.memref_squeeze %dma_wait3A_374 : memref<1x112xi32, #tpu.memory_space<vmem>> -> memref<112xi32, #tpu.memory_space<vmem>>
        %dma_wait3A_376 = arith.constant 0 : i32
        %dma_wait3A_377 = arith.constant 0 : i32
        %dma_wait3A_378 = tpu.memref_slice %arg5[%dma_wait3A_376, %dma_wait3A_377] : memref<10240x144xf32, #tpu.memory_space<vmem_shared>> -> memref<10240x144xf32, #tpu.memory_space<vmem_shared>>
        tpu.wait_indirect_dma semaphore(%run_scoped3A_366 : memref<!tpu.dma_semaphore, #tpu.memory_space<semaphore_mem>>) src(%arg8 : memref<112x144xf32, #tpu.memory_space<vmem>>) dst(%dma_wait3A_378 : memref<10240x144xf32, #tpu.memory_space<vmem_shared>>)
        tpu.yield
      }) : () -> ()
      %dma_start3A_178 = arith.constant 8 : i32
      %dma_start3A_179 = arith.constant 0 : i32
      %dma_start3A_180 = tpu.memref_slice %arg6[%dma_start3A_178, %dma_start3A_179] : memref<20x112xi32, #tpu.memory_space<vmem>> -> memref<1x112xi32, #tpu.memory_space<vmem>>
      %dma_start3A_181 = tpu.memref_squeeze %dma_start3A_180 : memref<1x112xi32, #tpu.memory_space<vmem>> -> memref<112xi32, #tpu.memory_space<vmem>>
      %dma_start3A_182 = arith.constant 0 : i32
      %dma_start3A_183 = arith.constant 0 : i32
      %dma_start3A_184 = tpu.memref_slice %arg2[%dma_start3A_182, %dma_start3A_183] : memref<10240x144xf32, #tpu.memory_space<hbm>> -> memref<10240x144xf32, #tpu.memory_space<hbm>>
      tpu.enqueue_indirect_dma source(%dma_start3A_184 : memref<10240x144xf32, #tpu.memory_space<hbm>>) target(%arg8 : memref<112x144xf32, #tpu.memory_space<vmem>>) offsets(%dma_start3A_181 : memref<112xi32, #tpu.memory_space<vmem>>) semaphore(%arg10 : memref<!tpu.dma_semaphore, #tpu.memory_space<semaphore_mem>>)
      %dma_wait3A_185 = arith.constant 7 : i32
      %dma_wait3A_186 = arith.constant 0 : i32
      %dma_wait3A_187 = tpu.memref_slice %arg6[%dma_wait3A_185, %dma_wait3A_186] : memref<20x112xi32, #tpu.memory_space<vmem>> -> memref<1x112xi32, #tpu.memory_space<vmem>>
      %dma_wait3A_188 = tpu.memref_squeeze %dma_wait3A_187 : memref<1x112xi32, #tpu.memory_space<vmem>> -> memref<112xi32, #tpu.memory_space<vmem>>
      %dma_wait3A_189 = arith.constant 0 : i32
      %dma_wait3A_190 = arith.constant 0 : i32
      %dma_wait3A_191 = tpu.memref_slice %arg2[%dma_wait3A_189, %dma_wait3A_190] : memref<10240x144xf32, #tpu.memory_space<hbm>> -> memref<10240x144xf32, #tpu.memory_space<hbm>>
      tpu.wait_indirect_dma semaphore(%arg11 : memref<!tpu.dma_semaphore, #tpu.memory_space<semaphore_mem>>) src(%dma_wait3A_191 : memref<10240x144xf32, #tpu.memory_space<hbm>>) dst(%arg9 : memref<112x144xf32, #tpu.memory_space<vmem>>)
      %run_scoped3A_192 = arith.constant 7 : i32
      "tpu.region"() ({
        %run_scoped3A_366 = tpu.sem_alloc : memref<!tpu.dma_semaphore, #tpu.memory_space<semaphore_mem>>
        %dma_start3A_367 = arith.constant 0 : i32
        %dma_start3A_368 = tpu.memref_slice %arg7[%run_scoped3A_192, %dma_start3A_367] : memref<20x112xi32, #tpu.memory_space<vmem>> -> memref<1x112xi32, #tpu.memory_space<vmem>>
        %dma_start3A_369 = tpu.memref_squeeze %dma_start3A_368 : memref<1x112xi32, #tpu.memory_space<vmem>> -> memref<112xi32, #tpu.memory_space<vmem>>
        %dma_start3A_370 = arith.constant 0 : i32
        %dma_start3A_371 = arith.constant 0 : i32
        %dma_start3A_372 = tpu.memref_slice %arg5[%dma_start3A_370, %dma_start3A_371] : memref<10240x144xf32, #tpu.memory_space<vmem_shared>> -> memref<10240x144xf32, #tpu.memory_space<vmem_shared>>
        tpu.enqueue_indirect_dma source(%arg9 : memref<112x144xf32, #tpu.memory_space<vmem>>) target(%dma_start3A_372 : memref<10240x144xf32, #tpu.memory_space<vmem_shared>>) offsets(%dma_start3A_369 : memref<112xi32, #tpu.memory_space<vmem>>) semaphore(%run_scoped3A_366 : memref<!tpu.dma_semaphore, #tpu.memory_space<semaphore_mem>>) {add = true}
        %dma_wait3A_373 = arith.constant 0 : i32
        %dma_wait3A_374 = tpu.memref_slice %arg7[%run_scoped3A_192, %dma_wait3A_373] : memref<20x112xi32, #tpu.memory_space<vmem>> -> memref<1x112xi32, #tpu.memory_space<vmem>>
        %dma_wait3A_375 = tpu.memref_squeeze %dma_wait3A_374 : memref<1x112xi32, #tpu.memory_space<vmem>> -> memref<112xi32, #tpu.memory_space<vmem>>
        %dma_wait3A_376 = arith.constant 0 : i32
        %dma_wait3A_377 = arith.constant 0 : i32
        %dma_wait3A_378 = tpu.memref_slice %arg5[%dma_wait3A_376, %dma_wait3A_377] : memref<10240x144xf32, #tpu.memory_space<vmem_shared>> -> memref<10240x144xf32, #tpu.memory_space<vmem_shared>>
        tpu.wait_indirect_dma semaphore(%run_scoped3A_366 : memref<!tpu.dma_semaphore, #tpu.memory_space<semaphore_mem>>) src(%arg9 : memref<112x144xf32, #tpu.memory_space<vmem>>) dst(%dma_wait3A_378 : memref<10240x144xf32, #tpu.memory_space<vmem_shared>>)
        tpu.yield
      }) : () -> ()
      %dma_start3A_193 = arith.constant 9 : i32
      %dma_start3A_194 = arith.constant 0 : i32
      %dma_start3A_195 = tpu.memref_slice %arg6[%dma_start3A_193, %dma_start3A_194] : memref<20x112xi32, #tpu.memory_space<vmem>> -> memref<1x112xi32, #tpu.memory_space<vmem>>
      %dma_start3A_196 = tpu.memref_squeeze %dma_start3A_195 : memref<1x112xi32, #tpu.memory_space<vmem>> -> memref<112xi32, #tpu.memory_space<vmem>>
      %dma_start3A_197 = arith.constant 0 : i32
      %dma_start3A_198 = arith.constant 0 : i32
      %dma_start3A_199 = tpu.memref_slice %arg2[%dma_start3A_197, %dma_start3A_198] : memref<10240x144xf32, #tpu.memory_space<hbm>> -> memref<10240x144xf32, #tpu.memory_space<hbm>>
      tpu.enqueue_indirect_dma source(%dma_start3A_199 : memref<10240x144xf32, #tpu.memory_space<hbm>>) target(%arg9 : memref<112x144xf32, #tpu.memory_space<vmem>>) offsets(%dma_start3A_196 : memref<112xi32, #tpu.memory_space<vmem>>) semaphore(%arg11 : memref<!tpu.dma_semaphore, #tpu.memory_space<semaphore_mem>>)
      %dma_wait3A_200 = arith.constant 8 : i32
      %dma_wait3A_201 = arith.constant 0 : i32
      %dma_wait3A_202 = tpu.memref_slice %arg6[%dma_wait3A_200, %dma_wait3A_201] : memref<20x112xi32, #tpu.memory_space<vmem>> -> memref<1x112xi32, #tpu.memory_space<vmem>>
      %dma_wait3A_203 = tpu.memref_squeeze %dma_wait3A_202 : memref<1x112xi32, #tpu.memory_space<vmem>> -> memref<112xi32, #tpu.memory_space<vmem>>
      %dma_wait3A_204 = arith.constant 0 : i32
      %dma_wait3A_205 = arith.constant 0 : i32
      %dma_wait3A_206 = tpu.memref_slice %arg2[%dma_wait3A_204, %dma_wait3A_205] : memref<10240x144xf32, #tpu.memory_space<hbm>> -> memref<10240x144xf32, #tpu.memory_space<hbm>>
      tpu.wait_indirect_dma semaphore(%arg10 : memref<!tpu.dma_semaphore, #tpu.memory_space<semaphore_mem>>) src(%dma_wait3A_206 : memref<10240x144xf32, #tpu.memory_space<hbm>>) dst(%arg8 : memref<112x144xf32, #tpu.memory_space<vmem>>)
      %run_scoped3A_207 = arith.constant 8 : i32
      "tpu.region"() ({
        %run_scoped3A_366 = tpu.sem_alloc : memref<!tpu.dma_semaphore, #tpu.memory_space<semaphore_mem>>
        %dma_start3A_367 = arith.constant 0 : i32
        %dma_start3A_368 = tpu.memref_slice %arg7[%run_scoped3A_207, %dma_start3A_367] : memref<20x112xi32, #tpu.memory_space<vmem>> -> memref<1x112xi32, #tpu.memory_space<vmem>>
        %dma_start3A_369 = tpu.memref_squeeze %dma_start3A_368 : memref<1x112xi32, #tpu.memory_space<vmem>> -> memref<112xi32, #tpu.memory_space<vmem>>
        %dma_start3A_370 = arith.constant 0 : i32
        %dma_start3A_371 = arith.constant 0 : i32
        %dma_start3A_372 = tpu.memref_slice %arg5[%dma_start3A_370, %dma_start3A_371] : memref<10240x144xf32, #tpu.memory_space<vmem_shared>> -> memref<10240x144xf32, #tpu.memory_space<vmem_shared>>
        tpu.enqueue_indirect_dma source(%arg8 : memref<112x144xf32, #tpu.memory_space<vmem>>) target(%dma_start3A_372 : memref<10240x144xf32, #tpu.memory_space<vmem_shared>>) offsets(%dma_start3A_369 : memref<112xi32, #tpu.memory_space<vmem>>) semaphore(%run_scoped3A_366 : memref<!tpu.dma_semaphore, #tpu.memory_space<semaphore_mem>>) {add = true}
        %dma_wait3A_373 = arith.constant 0 : i32
        %dma_wait3A_374 = tpu.memref_slice %arg7[%run_scoped3A_207, %dma_wait3A_373] : memref<20x112xi32, #tpu.memory_space<vmem>> -> memref<1x112xi32, #tpu.memory_space<vmem>>
        %dma_wait3A_375 = tpu.memref_squeeze %dma_wait3A_374 : memref<1x112xi32, #tpu.memory_space<vmem>> -> memref<112xi32, #tpu.memory_space<vmem>>
        %dma_wait3A_376 = arith.constant 0 : i32
        %dma_wait3A_377 = arith.constant 0 : i32
        %dma_wait3A_378 = tpu.memref_slice %arg5[%dma_wait3A_376, %dma_wait3A_377] : memref<10240x144xf32, #tpu.memory_space<vmem_shared>> -> memref<10240x144xf32, #tpu.memory_space<vmem_shared>>
        tpu.wait_indirect_dma semaphore(%run_scoped3A_366 : memref<!tpu.dma_semaphore, #tpu.memory_space<semaphore_mem>>) src(%arg8 : memref<112x144xf32, #tpu.memory_space<vmem>>) dst(%dma_wait3A_378 : memref<10240x144xf32, #tpu.memory_space<vmem_shared>>)
        tpu.yield
      }) : () -> ()
      %dma_start3A_208 = arith.constant 10 : i32
      %dma_start3A_209 = arith.constant 0 : i32
      %dma_start3A_210 = tpu.memref_slice %arg6[%dma_start3A_208, %dma_start3A_209] : memref<20x112xi32, #tpu.memory_space<vmem>> -> memref<1x112xi32, #tpu.memory_space<vmem>>
      %dma_start3A_211 = tpu.memref_squeeze %dma_start3A_210 : memref<1x112xi32, #tpu.memory_space<vmem>> -> memref<112xi32, #tpu.memory_space<vmem>>
      %dma_start3A_212 = arith.constant 0 : i32
      %dma_start3A_213 = arith.constant 0 : i32
      %dma_start3A_214 = tpu.memref_slice %arg2[%dma_start3A_212, %dma_start3A_213] : memref<10240x144xf32, #tpu.memory_space<hbm>> -> memref<10240x144xf32, #tpu.memory_space<hbm>>
      tpu.enqueue_indirect_dma source(%dma_start3A_214 : memref<10240x144xf32, #tpu.memory_space<hbm>>) target(%arg8 : memref<112x144xf32, #tpu.memory_space<vmem>>) offsets(%dma_start3A_211 : memref<112xi32, #tpu.memory_space<vmem>>) semaphore(%arg10 : memref<!tpu.dma_semaphore, #tpu.memory_space<semaphore_mem>>)
      %dma_wait3A_215 = arith.constant 9 : i32
      %dma_wait3A_216 = arith.constant 0 : i32
      %dma_wait3A_217 = tpu.memref_slice %arg6[%dma_wait3A_215, %dma_wait3A_216] : memref<20x112xi32, #tpu.memory_space<vmem>> -> memref<1x112xi32, #tpu.memory_space<vmem>>
      %dma_wait3A_218 = tpu.memref_squeeze %dma_wait3A_217 : memref<1x112xi32, #tpu.memory_space<vmem>> -> memref<112xi32, #tpu.memory_space<vmem>>
      %dma_wait3A_219 = arith.constant 0 : i32
      %dma_wait3A_220 = arith.constant 0 : i32
      %dma_wait3A_221 = tpu.memref_slice %arg2[%dma_wait3A_219, %dma_wait3A_220] : memref<10240x144xf32, #tpu.memory_space<hbm>> -> memref<10240x144xf32, #tpu.memory_space<hbm>>
      tpu.wait_indirect_dma semaphore(%arg11 : memref<!tpu.dma_semaphore, #tpu.memory_space<semaphore_mem>>) src(%dma_wait3A_221 : memref<10240x144xf32, #tpu.memory_space<hbm>>) dst(%arg9 : memref<112x144xf32, #tpu.memory_space<vmem>>)
      %run_scoped3A_222 = arith.constant 9 : i32
      "tpu.region"() ({
        %run_scoped3A_366 = tpu.sem_alloc : memref<!tpu.dma_semaphore, #tpu.memory_space<semaphore_mem>>
        %dma_start3A_367 = arith.constant 0 : i32
        %dma_start3A_368 = tpu.memref_slice %arg7[%run_scoped3A_222, %dma_start3A_367] : memref<20x112xi32, #tpu.memory_space<vmem>> -> memref<1x112xi32, #tpu.memory_space<vmem>>
        %dma_start3A_369 = tpu.memref_squeeze %dma_start3A_368 : memref<1x112xi32, #tpu.memory_space<vmem>> -> memref<112xi32, #tpu.memory_space<vmem>>
        %dma_start3A_370 = arith.constant 0 : i32
        %dma_start3A_371 = arith.constant 0 : i32
        %dma_start3A_372 = tpu.memref_slice %arg5[%dma_start3A_370, %dma_start3A_371] : memref<10240x144xf32, #tpu.memory_space<vmem_shared>> -> memref<10240x144xf32, #tpu.memory_space<vmem_shared>>
        tpu.enqueue_indirect_dma source(%arg9 : memref<112x144xf32, #tpu.memory_space<vmem>>) target(%dma_start3A_372 : memref<10240x144xf32, #tpu.memory_space<vmem_shared>>) offsets(%dma_start3A_369 : memref<112xi32, #tpu.memory_space<vmem>>) semaphore(%run_scoped3A_366 : memref<!tpu.dma_semaphore, #tpu.memory_space<semaphore_mem>>) {add = true}
        %dma_wait3A_373 = arith.constant 0 : i32
        %dma_wait3A_374 = tpu.memref_slice %arg7[%run_scoped3A_222, %dma_wait3A_373] : memref<20x112xi32, #tpu.memory_space<vmem>> -> memref<1x112xi32, #tpu.memory_space<vmem>>
        %dma_wait3A_375 = tpu.memref_squeeze %dma_wait3A_374 : memref<1x112xi32, #tpu.memory_space<vmem>> -> memref<112xi32, #tpu.memory_space<vmem>>
        %dma_wait3A_376 = arith.constant 0 : i32
        %dma_wait3A_377 = arith.constant 0 : i32
        %dma_wait3A_378 = tpu.memref_slice %arg5[%dma_wait3A_376, %dma_wait3A_377] : memref<10240x144xf32, #tpu.memory_space<vmem_shared>> -> memref<10240x144xf32, #tpu.memory_space<vmem_shared>>
        tpu.wait_indirect_dma semaphore(%run_scoped3A_366 : memref<!tpu.dma_semaphore, #tpu.memory_space<semaphore_mem>>) src(%arg9 : memref<112x144xf32, #tpu.memory_space<vmem>>) dst(%dma_wait3A_378 : memref<10240x144xf32, #tpu.memory_space<vmem_shared>>)
        tpu.yield
      }) : () -> ()
      %dma_start3A_223 = arith.constant 11 : i32
      %dma_start3A_224 = arith.constant 0 : i32
      %dma_start3A_225 = tpu.memref_slice %arg6[%dma_start3A_223, %dma_start3A_224] : memref<20x112xi32, #tpu.memory_space<vmem>> -> memref<1x112xi32, #tpu.memory_space<vmem>>
      %dma_start3A_226 = tpu.memref_squeeze %dma_start3A_225 : memref<1x112xi32, #tpu.memory_space<vmem>> -> memref<112xi32, #tpu.memory_space<vmem>>
      %dma_start3A_227 = arith.constant 0 : i32
      %dma_start3A_228 = arith.constant 0 : i32
      %dma_start3A_229 = tpu.memref_slice %arg2[%dma_start3A_227, %dma_start3A_228] : memref<10240x144xf32, #tpu.memory_space<hbm>> -> memref<10240x144xf32, #tpu.memory_space<hbm>>
      tpu.enqueue_indirect_dma source(%dma_start3A_229 : memref<10240x144xf32, #tpu.memory_space<hbm>>) target(%arg9 : memref<112x144xf32, #tpu.memory_space<vmem>>) offsets(%dma_start3A_226 : memref<112xi32, #tpu.memory_space<vmem>>) semaphore(%arg11 : memref<!tpu.dma_semaphore, #tpu.memory_space<semaphore_mem>>)
      %dma_wait3A_230 = arith.constant 10 : i32
      %dma_wait3A_231 = arith.constant 0 : i32
      %dma_wait3A_232 = tpu.memref_slice %arg6[%dma_wait3A_230, %dma_wait3A_231] : memref<20x112xi32, #tpu.memory_space<vmem>> -> memref<1x112xi32, #tpu.memory_space<vmem>>
      %dma_wait3A_233 = tpu.memref_squeeze %dma_wait3A_232 : memref<1x112xi32, #tpu.memory_space<vmem>> -> memref<112xi32, #tpu.memory_space<vmem>>
      %dma_wait3A_234 = arith.constant 0 : i32
      %dma_wait3A_235 = arith.constant 0 : i32
      %dma_wait3A_236 = tpu.memref_slice %arg2[%dma_wait3A_234, %dma_wait3A_235] : memref<10240x144xf32, #tpu.memory_space<hbm>> -> memref<10240x144xf32, #tpu.memory_space<hbm>>
      tpu.wait_indirect_dma semaphore(%arg10 : memref<!tpu.dma_semaphore, #tpu.memory_space<semaphore_mem>>) src(%dma_wait3A_236 : memref<10240x144xf32, #tpu.memory_space<hbm>>) dst(%arg8 : memref<112x144xf32, #tpu.memory_space<vmem>>)
      %run_scoped3A_237 = arith.constant 10 : i32
      "tpu.region"() ({
        %run_scoped3A_366 = tpu.sem_alloc : memref<!tpu.dma_semaphore, #tpu.memory_space<semaphore_mem>>
        %dma_start3A_367 = arith.constant 0 : i32
        %dma_start3A_368 = tpu.memref_slice %arg7[%run_scoped3A_237, %dma_start3A_367] : memref<20x112xi32, #tpu.memory_space<vmem>> -> memref<1x112xi32, #tpu.memory_space<vmem>>
        %dma_start3A_369 = tpu.memref_squeeze %dma_start3A_368 : memref<1x112xi32, #tpu.memory_space<vmem>> -> memref<112xi32, #tpu.memory_space<vmem>>
        %dma_start3A_370 = arith.constant 0 : i32
        %dma_start3A_371 = arith.constant 0 : i32
        %dma_start3A_372 = tpu.memref_slice %arg5[%dma_start3A_370, %dma_start3A_371] : memref<10240x144xf32, #tpu.memory_space<vmem_shared>> -> memref<10240x144xf32, #tpu.memory_space<vmem_shared>>
        tpu.enqueue_indirect_dma source(%arg8 : memref<112x144xf32, #tpu.memory_space<vmem>>) target(%dma_start3A_372 : memref<10240x144xf32, #tpu.memory_space<vmem_shared>>) offsets(%dma_start3A_369 : memref<112xi32, #tpu.memory_space<vmem>>) semaphore(%run_scoped3A_366 : memref<!tpu.dma_semaphore, #tpu.memory_space<semaphore_mem>>) {add = true}
        %dma_wait3A_373 = arith.constant 0 : i32
        %dma_wait3A_374 = tpu.memref_slice %arg7[%run_scoped3A_237, %dma_wait3A_373] : memref<20x112xi32, #tpu.memory_space<vmem>> -> memref<1x112xi32, #tpu.memory_space<vmem>>
        %dma_wait3A_375 = tpu.memref_squeeze %dma_wait3A_374 : memref<1x112xi32, #tpu.memory_space<vmem>> -> memref<112xi32, #tpu.memory_space<vmem>>
        %dma_wait3A_376 = arith.constant 0 : i32
        %dma_wait3A_377 = arith.constant 0 : i32
        %dma_wait3A_378 = tpu.memref_slice %arg5[%dma_wait3A_376, %dma_wait3A_377] : memref<10240x144xf32, #tpu.memory_space<vmem_shared>> -> memref<10240x144xf32, #tpu.memory_space<vmem_shared>>
        tpu.wait_indirect_dma semaphore(%run_scoped3A_366 : memref<!tpu.dma_semaphore, #tpu.memory_space<semaphore_mem>>) src(%arg8 : memref<112x144xf32, #tpu.memory_space<vmem>>) dst(%dma_wait3A_378 : memref<10240x144xf32, #tpu.memory_space<vmem_shared>>)
        tpu.yield
      }) : () -> ()
      %dma_start3A_238 = arith.constant 12 : i32
      %dma_start3A_239 = arith.constant 0 : i32
      %dma_start3A_240 = tpu.memref_slice %arg6[%dma_start3A_238, %dma_start3A_239] : memref<20x112xi32, #tpu.memory_space<vmem>> -> memref<1x112xi32, #tpu.memory_space<vmem>>
      %dma_start3A_241 = tpu.memref_squeeze %dma_start3A_240 : memref<1x112xi32, #tpu.memory_space<vmem>> -> memref<112xi32, #tpu.memory_space<vmem>>
      %dma_start3A_242 = arith.constant 0 : i32
      %dma_start3A_243 = arith.constant 0 : i32
      %dma_start3A_244 = tpu.memref_slice %arg2[%dma_start3A_242, %dma_start3A_243] : memref<10240x144xf32, #tpu.memory_space<hbm>> -> memref<10240x144xf32, #tpu.memory_space<hbm>>
      tpu.enqueue_indirect_dma source(%dma_start3A_244 : memref<10240x144xf32, #tpu.memory_space<hbm>>) target(%arg8 : memref<112x144xf32, #tpu.memory_space<vmem>>) offsets(%dma_start3A_241 : memref<112xi32, #tpu.memory_space<vmem>>) semaphore(%arg10 : memref<!tpu.dma_semaphore, #tpu.memory_space<semaphore_mem>>)
      %dma_wait3A_245 = arith.constant 11 : i32
      %dma_wait3A_246 = arith.constant 0 : i32
      %dma_wait3A_247 = tpu.memref_slice %arg6[%dma_wait3A_245, %dma_wait3A_246] : memref<20x112xi32, #tpu.memory_space<vmem>> -> memref<1x112xi32, #tpu.memory_space<vmem>>
      %dma_wait3A_248 = tpu.memref_squeeze %dma_wait3A_247 : memref<1x112xi32, #tpu.memory_space<vmem>> -> memref<112xi32, #tpu.memory_space<vmem>>
      %dma_wait3A_249 = arith.constant 0 : i32
      %dma_wait3A_250 = arith.constant 0 : i32
      %dma_wait3A_251 = tpu.memref_slice %arg2[%dma_wait3A_249, %dma_wait3A_250] : memref<10240x144xf32, #tpu.memory_space<hbm>> -> memref<10240x144xf32, #tpu.memory_space<hbm>>
      tpu.wait_indirect_dma semaphore(%arg11 : memref<!tpu.dma_semaphore, #tpu.memory_space<semaphore_mem>>) src(%dma_wait3A_251 : memref<10240x144xf32, #tpu.memory_space<hbm>>) dst(%arg9 : memref<112x144xf32, #tpu.memory_space<vmem>>)
      %run_scoped3A_252 = arith.constant 11 : i32
      "tpu.region"() ({
        %run_scoped3A_366 = tpu.sem_alloc : memref<!tpu.dma_semaphore, #tpu.memory_space<semaphore_mem>>
        %dma_start3A_367 = arith.constant 0 : i32
        %dma_start3A_368 = tpu.memref_slice %arg7[%run_scoped3A_252, %dma_start3A_367] : memref<20x112xi32, #tpu.memory_space<vmem>> -> memref<1x112xi32, #tpu.memory_space<vmem>>
        %dma_start3A_369 = tpu.memref_squeeze %dma_start3A_368 : memref<1x112xi32, #tpu.memory_space<vmem>> -> memref<112xi32, #tpu.memory_space<vmem>>
        %dma_start3A_370 = arith.constant 0 : i32
        %dma_start3A_371 = arith.constant 0 : i32
        %dma_start3A_372 = tpu.memref_slice %arg5[%dma_start3A_370, %dma_start3A_371] : memref<10240x144xf32, #tpu.memory_space<vmem_shared>> -> memref<10240x144xf32, #tpu.memory_space<vmem_shared>>
        tpu.enqueue_indirect_dma source(%arg9 : memref<112x144xf32, #tpu.memory_space<vmem>>) target(%dma_start3A_372 : memref<10240x144xf32, #tpu.memory_space<vmem_shared>>) offsets(%dma_start3A_369 : memref<112xi32, #tpu.memory_space<vmem>>) semaphore(%run_scoped3A_366 : memref<!tpu.dma_semaphore, #tpu.memory_space<semaphore_mem>>) {add = true}
        %dma_wait3A_373 = arith.constant 0 : i32
        %dma_wait3A_374 = tpu.memref_slice %arg7[%run_scoped3A_252, %dma_wait3A_373] : memref<20x112xi32, #tpu.memory_space<vmem>> -> memref<1x112xi32, #tpu.memory_space<vmem>>
        %dma_wait3A_375 = tpu.memref_squeeze %dma_wait3A_374 : memref<1x112xi32, #tpu.memory_space<vmem>> -> memref<112xi32, #tpu.memory_space<vmem>>
        %dma_wait3A_376 = arith.constant 0 : i32
        %dma_wait3A_377 = arith.constant 0 : i32
        %dma_wait3A_378 = tpu.memref_slice %arg5[%dma_wait3A_376, %dma_wait3A_377] : memref<10240x144xf32, #tpu.memory_space<vmem_shared>> -> memref<10240x144xf32, #tpu.memory_space<vmem_shared>>
        tpu.wait_indirect_dma semaphore(%run_scoped3A_366 : memref<!tpu.dma_semaphore, #tpu.memory_space<semaphore_mem>>) src(%arg9 : memref<112x144xf32, #tpu.memory_space<vmem>>) dst(%dma_wait3A_378 : memref<10240x144xf32, #tpu.memory_space<vmem_shared>>)
        tpu.yield
      }) : () -> ()
      %dma_start3A_253 = arith.constant 13 : i32
      %dma_start3A_254 = arith.constant 0 : i32
      %dma_start3A_255 = tpu.memref_slice %arg6[%dma_start3A_253, %dma_start3A_254] : memref<20x112xi32, #tpu.memory_space<vmem>> -> memref<1x112xi32, #tpu.memory_space<vmem>>
      %dma_start3A_256 = tpu.memref_squeeze %dma_start3A_255 : memref<1x112xi32, #tpu.memory_space<vmem>> -> memref<112xi32, #tpu.memory_space<vmem>>
      %dma_start3A_257 = arith.constant 0 : i32
      %dma_start3A_258 = arith.constant 0 : i32
      %dma_start3A_259 = tpu.memref_slice %arg2[%dma_start3A_257, %dma_start3A_258] : memref<10240x144xf32, #tpu.memory_space<hbm>> -> memref<10240x144xf32, #tpu.memory_space<hbm>>
      tpu.enqueue_indirect_dma source(%dma_start3A_259 : memref<10240x144xf32, #tpu.memory_space<hbm>>) target(%arg9 : memref<112x144xf32, #tpu.memory_space<vmem>>) offsets(%dma_start3A_256 : memref<112xi32, #tpu.memory_space<vmem>>) semaphore(%arg11 : memref<!tpu.dma_semaphore, #tpu.memory_space<semaphore_mem>>)
      %dma_wait3A_260 = arith.constant 12 : i32
      %dma_wait3A_261 = arith.constant 0 : i32
      %dma_wait3A_262 = tpu.memref_slice %arg6[%dma_wait3A_260, %dma_wait3A_261] : memref<20x112xi32, #tpu.memory_space<vmem>> -> memref<1x112xi32, #tpu.memory_space<vmem>>
      %dma_wait3A_263 = tpu.memref_squeeze %dma_wait3A_262 : memref<1x112xi32, #tpu.memory_space<vmem>> -> memref<112xi32, #tpu.memory_space<vmem>>
      %dma_wait3A_264 = arith.constant 0 : i32
      %dma_wait3A_265 = arith.constant 0 : i32
      %dma_wait3A_266 = tpu.memref_slice %arg2[%dma_wait3A_264, %dma_wait3A_265] : memref<10240x144xf32, #tpu.memory_space<hbm>> -> memref<10240x144xf32, #tpu.memory_space<hbm>>
      tpu.wait_indirect_dma semaphore(%arg10 : memref<!tpu.dma_semaphore, #tpu.memory_space<semaphore_mem>>) src(%dma_wait3A_266 : memref<10240x144xf32, #tpu.memory_space<hbm>>) dst(%arg8 : memref<112x144xf32, #tpu.memory_space<vmem>>)
      %run_scoped3A_267 = arith.constant 12 : i32
      "tpu.region"() ({
        %run_scoped3A_366 = tpu.sem_alloc : memref<!tpu.dma_semaphore, #tpu.memory_space<semaphore_mem>>
        %dma_start3A_367 = arith.constant 0 : i32
        %dma_start3A_368 = tpu.memref_slice %arg7[%run_scoped3A_267, %dma_start3A_367] : memref<20x112xi32, #tpu.memory_space<vmem>> -> memref<1x112xi32, #tpu.memory_space<vmem>>
        %dma_start3A_369 = tpu.memref_squeeze %dma_start3A_368 : memref<1x112xi32, #tpu.memory_space<vmem>> -> memref<112xi32, #tpu.memory_space<vmem>>
        %dma_start3A_370 = arith.constant 0 : i32
        %dma_start3A_371 = arith.constant 0 : i32
        %dma_start3A_372 = tpu.memref_slice %arg5[%dma_start3A_370, %dma_start3A_371] : memref<10240x144xf32, #tpu.memory_space<vmem_shared>> -> memref<10240x144xf32, #tpu.memory_space<vmem_shared>>
        tpu.enqueue_indirect_dma source(%arg8 : memref<112x144xf32, #tpu.memory_space<vmem>>) target(%dma_start3A_372 : memref<10240x144xf32, #tpu.memory_space<vmem_shared>>) offsets(%dma_start3A_369 : memref<112xi32, #tpu.memory_space<vmem>>) semaphore(%run_scoped3A_366 : memref<!tpu.dma_semaphore, #tpu.memory_space<semaphore_mem>>) {add = true}
        %dma_wait3A_373 = arith.constant 0 : i32
        %dma_wait3A_374 = tpu.memref_slice %arg7[%run_scoped3A_267, %dma_wait3A_373] : memref<20x112xi32, #tpu.memory_space<vmem>> -> memref<1x112xi32, #tpu.memory_space<vmem>>
        %dma_wait3A_375 = tpu.memref_squeeze %dma_wait3A_374 : memref<1x112xi32, #tpu.memory_space<vmem>> -> memref<112xi32, #tpu.memory_space<vmem>>
        %dma_wait3A_376 = arith.constant 0 : i32
        %dma_wait3A_377 = arith.constant 0 : i32
        %dma_wait3A_378 = tpu.memref_slice %arg5[%dma_wait3A_376, %dma_wait3A_377] : memref<10240x144xf32, #tpu.memory_space<vmem_shared>> -> memref<10240x144xf32, #tpu.memory_space<vmem_shared>>
        tpu.wait_indirect_dma semaphore(%run_scoped3A_366 : memref<!tpu.dma_semaphore, #tpu.memory_space<semaphore_mem>>) src(%arg8 : memref<112x144xf32, #tpu.memory_space<vmem>>) dst(%dma_wait3A_378 : memref<10240x144xf32, #tpu.memory_space<vmem_shared>>)
        tpu.yield
      }) : () -> ()
      %dma_start3A_268 = arith.constant 14 : i32
      %dma_start3A_269 = arith.constant 0 : i32
      %dma_start3A_270 = tpu.memref_slice %arg6[%dma_start3A_268, %dma_start3A_269] : memref<20x112xi32, #tpu.memory_space<vmem>> -> memref<1x112xi32, #tpu.memory_space<vmem>>
      %dma_start3A_271 = tpu.memref_squeeze %dma_start3A_270 : memref<1x112xi32, #tpu.memory_space<vmem>> -> memref<112xi32, #tpu.memory_space<vmem>>
      %dma_start3A_272 = arith.constant 0 : i32
      %dma_start3A_273 = arith.constant 0 : i32
      %dma_start3A_274 = tpu.memref_slice %arg2[%dma_start3A_272, %dma_start3A_273] : memref<10240x144xf32, #tpu.memory_space<hbm>> -> memref<10240x144xf32, #tpu.memory_space<hbm>>
      tpu.enqueue_indirect_dma source(%dma_start3A_274 : memref<10240x144xf32, #tpu.memory_space<hbm>>) target(%arg8 : memref<112x144xf32, #tpu.memory_space<vmem>>) offsets(%dma_start3A_271 : memref<112xi32, #tpu.memory_space<vmem>>) semaphore(%arg10 : memref<!tpu.dma_semaphore, #tpu.memory_space<semaphore_mem>>)
      %dma_wait3A_275 = arith.constant 13 : i32
      %dma_wait3A_276 = arith.constant 0 : i32
      %dma_wait3A_277 = tpu.memref_slice %arg6[%dma_wait3A_275, %dma_wait3A_276] : memref<20x112xi32, #tpu.memory_space<vmem>> -> memref<1x112xi32, #tpu.memory_space<vmem>>
      %dma_wait3A_278 = tpu.memref_squeeze %dma_wait3A_277 : memref<1x112xi32, #tpu.memory_space<vmem>> -> memref<112xi32, #tpu.memory_space<vmem>>
      %dma_wait3A_279 = arith.constant 0 : i32
      %dma_wait3A_280 = arith.constant 0 : i32
      %dma_wait3A_281 = tpu.memref_slice %arg2[%dma_wait3A_279, %dma_wait3A_280] : memref<10240x144xf32, #tpu.memory_space<hbm>> -> memref<10240x144xf32, #tpu.memory_space<hbm>>
      tpu.wait_indirect_dma semaphore(%arg11 : memref<!tpu.dma_semaphore, #tpu.memory_space<semaphore_mem>>) src(%dma_wait3A_281 : memref<10240x144xf32, #tpu.memory_space<hbm>>) dst(%arg9 : memref<112x144xf32, #tpu.memory_space<vmem>>)
      %run_scoped3A_282 = arith.constant 13 : i32
      "tpu.region"() ({
        %run_scoped3A_366 = tpu.sem_alloc : memref<!tpu.dma_semaphore, #tpu.memory_space<semaphore_mem>>
        %dma_start3A_367 = arith.constant 0 : i32
        %dma_start3A_368 = tpu.memref_slice %arg7[%run_scoped3A_282, %dma_start3A_367] : memref<20x112xi32, #tpu.memory_space<vmem>> -> memref<1x112xi32, #tpu.memory_space<vmem>>
        %dma_start3A_369 = tpu.memref_squeeze %dma_start3A_368 : memref<1x112xi32, #tpu.memory_space<vmem>> -> memref<112xi32, #tpu.memory_space<vmem>>
        %dma_start3A_370 = arith.constant 0 : i32
        %dma_start3A_371 = arith.constant 0 : i32
        %dma_start3A_372 = tpu.memref_slice %arg5[%dma_start3A_370, %dma_start3A_371] : memref<10240x144xf32, #tpu.memory_space<vmem_shared>> -> memref<10240x144xf32, #tpu.memory_space<vmem_shared>>
        tpu.enqueue_indirect_dma source(%arg9 : memref<112x144xf32, #tpu.memory_space<vmem>>) target(%dma_start3A_372 : memref<10240x144xf32, #tpu.memory_space<vmem_shared>>) offsets(%dma_start3A_369 : memref<112xi32, #tpu.memory_space<vmem>>) semaphore(%run_scoped3A_366 : memref<!tpu.dma_semaphore, #tpu.memory_space<semaphore_mem>>) {add = true}
        %dma_wait3A_373 = arith.constant 0 : i32
        %dma_wait3A_374 = tpu.memref_slice %arg7[%run_scoped3A_282, %dma_wait3A_373] : memref<20x112xi32, #tpu.memory_space<vmem>> -> memref<1x112xi32, #tpu.memory_space<vmem>>
        %dma_wait3A_375 = tpu.memref_squeeze %dma_wait3A_374 : memref<1x112xi32, #tpu.memory_space<vmem>> -> memref<112xi32, #tpu.memory_space<vmem>>
        %dma_wait3A_376 = arith.constant 0 : i32
        %dma_wait3A_377 = arith.constant 0 : i32
        %dma_wait3A_378 = tpu.memref_slice %arg5[%dma_wait3A_376, %dma_wait3A_377] : memref<10240x144xf32, #tpu.memory_space<vmem_shared>> -> memref<10240x144xf32, #tpu.memory_space<vmem_shared>>
        tpu.wait_indirect_dma semaphore(%run_scoped3A_366 : memref<!tpu.dma_semaphore, #tpu.memory_space<semaphore_mem>>) src(%arg9 : memref<112x144xf32, #tpu.memory_space<vmem>>) dst(%dma_wait3A_378 : memref<10240x144xf32, #tpu.memory_space<vmem_shared>>)
        tpu.yield
      }) : () -> ()
      %dma_start3A_283 = arith.constant 15 : i32
      %dma_start3A_284 = arith.constant 0 : i32
      %dma_start3A_285 = tpu.memref_slice %arg6[%dma_start3A_283, %dma_start3A_284] : memref<20x112xi32, #tpu.memory_space<vmem>> -> memref<1x112xi32, #tpu.memory_space<vmem>>
      %dma_start3A_286 = tpu.memref_squeeze %dma_start3A_285 : memref<1x112xi32, #tpu.memory_space<vmem>> -> memref<112xi32, #tpu.memory_space<vmem>>
      %dma_start3A_287 = arith.constant 0 : i32
      %dma_start3A_288 = arith.constant 0 : i32
      %dma_start3A_289 = tpu.memref_slice %arg2[%dma_start3A_287, %dma_start3A_288] : memref<10240x144xf32, #tpu.memory_space<hbm>> -> memref<10240x144xf32, #tpu.memory_space<hbm>>
      tpu.enqueue_indirect_dma source(%dma_start3A_289 : memref<10240x144xf32, #tpu.memory_space<hbm>>) target(%arg9 : memref<112x144xf32, #tpu.memory_space<vmem>>) offsets(%dma_start3A_286 : memref<112xi32, #tpu.memory_space<vmem>>) semaphore(%arg11 : memref<!tpu.dma_semaphore, #tpu.memory_space<semaphore_mem>>)
      %dma_wait3A_290 = arith.constant 14 : i32
      %dma_wait3A_291 = arith.constant 0 : i32
      %dma_wait3A_292 = tpu.memref_slice %arg6[%dma_wait3A_290, %dma_wait3A_291] : memref<20x112xi32, #tpu.memory_space<vmem>> -> memref<1x112xi32, #tpu.memory_space<vmem>>
      %dma_wait3A_293 = tpu.memref_squeeze %dma_wait3A_292 : memref<1x112xi32, #tpu.memory_space<vmem>> -> memref<112xi32, #tpu.memory_space<vmem>>
      %dma_wait3A_294 = arith.constant 0 : i32
      %dma_wait3A_295 = arith.constant 0 : i32
      %dma_wait3A_296 = tpu.memref_slice %arg2[%dma_wait3A_294, %dma_wait3A_295] : memref<10240x144xf32, #tpu.memory_space<hbm>> -> memref<10240x144xf32, #tpu.memory_space<hbm>>
      tpu.wait_indirect_dma semaphore(%arg10 : memref<!tpu.dma_semaphore, #tpu.memory_space<semaphore_mem>>) src(%dma_wait3A_296 : memref<10240x144xf32, #tpu.memory_space<hbm>>) dst(%arg8 : memref<112x144xf32, #tpu.memory_space<vmem>>)
      %run_scoped3A_297 = arith.constant 14 : i32
      "tpu.region"() ({
        %run_scoped3A_366 = tpu.sem_alloc : memref<!tpu.dma_semaphore, #tpu.memory_space<semaphore_mem>>
        %dma_start3A_367 = arith.constant 0 : i32
        %dma_start3A_368 = tpu.memref_slice %arg7[%run_scoped3A_297, %dma_start3A_367] : memref<20x112xi32, #tpu.memory_space<vmem>> -> memref<1x112xi32, #tpu.memory_space<vmem>>
        %dma_start3A_369 = tpu.memref_squeeze %dma_start3A_368 : memref<1x112xi32, #tpu.memory_space<vmem>> -> memref<112xi32, #tpu.memory_space<vmem>>
        %dma_start3A_370 = arith.constant 0 : i32
        %dma_start3A_371 = arith.constant 0 : i32
        %dma_start3A_372 = tpu.memref_slice %arg5[%dma_start3A_370, %dma_start3A_371] : memref<10240x144xf32, #tpu.memory_space<vmem_shared>> -> memref<10240x144xf32, #tpu.memory_space<vmem_shared>>
        tpu.enqueue_indirect_dma source(%arg8 : memref<112x144xf32, #tpu.memory_space<vmem>>) target(%dma_start3A_372 : memref<10240x144xf32, #tpu.memory_space<vmem_shared>>) offsets(%dma_start3A_369 : memref<112xi32, #tpu.memory_space<vmem>>) semaphore(%run_scoped3A_366 : memref<!tpu.dma_semaphore, #tpu.memory_space<semaphore_mem>>) {add = true}
        %dma_wait3A_373 = arith.constant 0 : i32
        %dma_wait3A_374 = tpu.memref_slice %arg7[%run_scoped3A_297, %dma_wait3A_373] : memref<20x112xi32, #tpu.memory_space<vmem>> -> memref<1x112xi32, #tpu.memory_space<vmem>>
        %dma_wait3A_375 = tpu.memref_squeeze %dma_wait3A_374 : memref<1x112xi32, #tpu.memory_space<vmem>> -> memref<112xi32, #tpu.memory_space<vmem>>
        %dma_wait3A_376 = arith.constant 0 : i32
        %dma_wait3A_377 = arith.constant 0 : i32
        %dma_wait3A_378 = tpu.memref_slice %arg5[%dma_wait3A_376, %dma_wait3A_377] : memref<10240x144xf32, #tpu.memory_space<vmem_shared>> -> memref<10240x144xf32, #tpu.memory_space<vmem_shared>>
        tpu.wait_indirect_dma semaphore(%run_scoped3A_366 : memref<!tpu.dma_semaphore, #tpu.memory_space<semaphore_mem>>) src(%arg8 : memref<112x144xf32, #tpu.memory_space<vmem>>) dst(%dma_wait3A_378 : memref<10240x144xf32, #tpu.memory_space<vmem_shared>>)
        tpu.yield
      }) : () -> ()
      %dma_start3A_298 = arith.constant 16 : i32
      %dma_start3A_299 = arith.constant 0 : i32
      %dma_start3A_300 = tpu.memref_slice %arg6[%dma_start3A_298, %dma_start3A_299] : memref<20x112xi32, #tpu.memory_space<vmem>> -> memref<1x112xi32, #tpu.memory_space<vmem>>
      %dma_start3A_301 = tpu.memref_squeeze %dma_start3A_300 : memref<1x112xi32, #tpu.memory_space<vmem>> -> memref<112xi32, #tpu.memory_space<vmem>>
      %dma_start3A_302 = arith.constant 0 : i32
      %dma_start3A_303 = arith.constant 0 : i32
      %dma_start3A_304 = tpu.memref_slice %arg2[%dma_start3A_302, %dma_start3A_303] : memref<10240x144xf32, #tpu.memory_space<hbm>> -> memref<10240x144xf32, #tpu.memory_space<hbm>>
      tpu.enqueue_indirect_dma source(%dma_start3A_304 : memref<10240x144xf32, #tpu.memory_space<hbm>>) target(%arg8 : memref<112x144xf32, #tpu.memory_space<vmem>>) offsets(%dma_start3A_301 : memref<112xi32, #tpu.memory_space<vmem>>) semaphore(%arg10 : memref<!tpu.dma_semaphore, #tpu.memory_space<semaphore_mem>>)
      %dma_wait3A_305 = arith.constant 15 : i32
      %dma_wait3A_306 = arith.constant 0 : i32
      %dma_wait3A_307 = tpu.memref_slice %arg6[%dma_wait3A_305, %dma_wait3A_306] : memref<20x112xi32, #tpu.memory_space<vmem>> -> memref<1x112xi32, #tpu.memory_space<vmem>>
      %dma_wait3A_308 = tpu.memref_squeeze %dma_wait3A_307 : memref<1x112xi32, #tpu.memory_space<vmem>> -> memref<112xi32, #tpu.memory_space<vmem>>
      %dma_wait3A_309 = arith.constant 0 : i32
      %dma_wait3A_310 = arith.constant 0 : i32
      %dma_wait3A_311 = tpu.memref_slice %arg2[%dma_wait3A_309, %dma_wait3A_310] : memref<10240x144xf32, #tpu.memory_space<hbm>> -> memref<10240x144xf32, #tpu.memory_space<hbm>>
      tpu.wait_indirect_dma semaphore(%arg11 : memref<!tpu.dma_semaphore, #tpu.memory_space<semaphore_mem>>) src(%dma_wait3A_311 : memref<10240x144xf32, #tpu.memory_space<hbm>>) dst(%arg9 : memref<112x144xf32, #tpu.memory_space<vmem>>)
      %run_scoped3A_312 = arith.constant 15 : i32
      "tpu.region"() ({
        %run_scoped3A_366 = tpu.sem_alloc : memref<!tpu.dma_semaphore, #tpu.memory_space<semaphore_mem>>
        %dma_start3A_367 = arith.constant 0 : i32
        %dma_start3A_368 = tpu.memref_slice %arg7[%run_scoped3A_312, %dma_start3A_367] : memref<20x112xi32, #tpu.memory_space<vmem>> -> memref<1x112xi32, #tpu.memory_space<vmem>>
        %dma_start3A_369 = tpu.memref_squeeze %dma_start3A_368 : memref<1x112xi32, #tpu.memory_space<vmem>> -> memref<112xi32, #tpu.memory_space<vmem>>
        %dma_start3A_370 = arith.constant 0 : i32
        %dma_start3A_371 = arith.constant 0 : i32
        %dma_start3A_372 = tpu.memref_slice %arg5[%dma_start3A_370, %dma_start3A_371] : memref<10240x144xf32, #tpu.memory_space<vmem_shared>> -> memref<10240x144xf32, #tpu.memory_space<vmem_shared>>
        tpu.enqueue_indirect_dma source(%arg9 : memref<112x144xf32, #tpu.memory_space<vmem>>) target(%dma_start3A_372 : memref<10240x144xf32, #tpu.memory_space<vmem_shared>>) offsets(%dma_start3A_369 : memref<112xi32, #tpu.memory_space<vmem>>) semaphore(%run_scoped3A_366 : memref<!tpu.dma_semaphore, #tpu.memory_space<semaphore_mem>>) {add = true}
        %dma_wait3A_373 = arith.constant 0 : i32
        %dma_wait3A_374 = tpu.memref_slice %arg7[%run_scoped3A_312, %dma_wait3A_373] : memref<20x112xi32, #tpu.memory_space<vmem>> -> memref<1x112xi32, #tpu.memory_space<vmem>>
        %dma_wait3A_375 = tpu.memref_squeeze %dma_wait3A_374 : memref<1x112xi32, #tpu.memory_space<vmem>> -> memref<112xi32, #tpu.memory_space<vmem>>
        %dma_wait3A_376 = arith.constant 0 : i32
        %dma_wait3A_377 = arith.constant 0 : i32
        %dma_wait3A_378 = tpu.memref_slice %arg5[%dma_wait3A_376, %dma_wait3A_377] : memref<10240x144xf32, #tpu.memory_space<vmem_shared>> -> memref<10240x144xf32, #tpu.memory_space<vmem_shared>>
        tpu.wait_indirect_dma semaphore(%run_scoped3A_366 : memref<!tpu.dma_semaphore, #tpu.memory_space<semaphore_mem>>) src(%arg9 : memref<112x144xf32, #tpu.memory_space<vmem>>) dst(%dma_wait3A_378 : memref<10240x144xf32, #tpu.memory_space<vmem_shared>>)
        tpu.yield
      }) : () -> ()
      %dma_start3A_313 = arith.constant 17 : i32
      %dma_start3A_314 = arith.constant 0 : i32
      %dma_start3A_315 = tpu.memref_slice %arg6[%dma_start3A_313, %dma_start3A_314] : memref<20x112xi32, #tpu.memory_space<vmem>> -> memref<1x112xi32, #tpu.memory_space<vmem>>
      %dma_start3A_316 = tpu.memref_squeeze %dma_start3A_315 : memref<1x112xi32, #tpu.memory_space<vmem>> -> memref<112xi32, #tpu.memory_space<vmem>>
      %dma_start3A_317 = arith.constant 0 : i32
      %dma_start3A_318 = arith.constant 0 : i32
      %dma_start3A_319 = tpu.memref_slice %arg2[%dma_start3A_317, %dma_start3A_318] : memref<10240x144xf32, #tpu.memory_space<hbm>> -> memref<10240x144xf32, #tpu.memory_space<hbm>>
      tpu.enqueue_indirect_dma source(%dma_start3A_319 : memref<10240x144xf32, #tpu.memory_space<hbm>>) target(%arg9 : memref<112x144xf32, #tpu.memory_space<vmem>>) offsets(%dma_start3A_316 : memref<112xi32, #tpu.memory_space<vmem>>) semaphore(%arg11 : memref<!tpu.dma_semaphore, #tpu.memory_space<semaphore_mem>>)
      %dma_wait3A_320 = arith.constant 16 : i32
      %dma_wait3A_321 = arith.constant 0 : i32
      %dma_wait3A_322 = tpu.memref_slice %arg6[%dma_wait3A_320, %dma_wait3A_321] : memref<20x112xi32, #tpu.memory_space<vmem>> -> memref<1x112xi32, #tpu.memory_space<vmem>>
      %dma_wait3A_323 = tpu.memref_squeeze %dma_wait3A_322 : memref<1x112xi32, #tpu.memory_space<vmem>> -> memref<112xi32, #tpu.memory_space<vmem>>
      %dma_wait3A_324 = arith.constant 0 : i32
      %dma_wait3A_325 = arith.constant 0 : i32
      %dma_wait3A_326 = tpu.memref_slice %arg2[%dma_wait3A_324, %dma_wait3A_325] : memref<10240x144xf32, #tpu.memory_space<hbm>> -> memref<10240x144xf32, #tpu.memory_space<hbm>>
      tpu.wait_indirect_dma semaphore(%arg10 : memref<!tpu.dma_semaphore, #tpu.memory_space<semaphore_mem>>) src(%dma_wait3A_326 : memref<10240x144xf32, #tpu.memory_space<hbm>>) dst(%arg8 : memref<112x144xf32, #tpu.memory_space<vmem>>)
      %run_scoped3A_327 = arith.constant 16 : i32
      "tpu.region"() ({
        %run_scoped3A_366 = tpu.sem_alloc : memref<!tpu.dma_semaphore, #tpu.memory_space<semaphore_mem>>
        %dma_start3A_367 = arith.constant 0 : i32
        %dma_start3A_368 = tpu.memref_slice %arg7[%run_scoped3A_327, %dma_start3A_367] : memref<20x112xi32, #tpu.memory_space<vmem>> -> memref<1x112xi32, #tpu.memory_space<vmem>>
        %dma_start3A_369 = tpu.memref_squeeze %dma_start3A_368 : memref<1x112xi32, #tpu.memory_space<vmem>> -> memref<112xi32, #tpu.memory_space<vmem>>
        %dma_start3A_370 = arith.constant 0 : i32
        %dma_start3A_371 = arith.constant 0 : i32
        %dma_start3A_372 = tpu.memref_slice %arg5[%dma_start3A_370, %dma_start3A_371] : memref<10240x144xf32, #tpu.memory_space<vmem_shared>> -> memref<10240x144xf32, #tpu.memory_space<vmem_shared>>
        tpu.enqueue_indirect_dma source(%arg8 : memref<112x144xf32, #tpu.memory_space<vmem>>) target(%dma_start3A_372 : memref<10240x144xf32, #tpu.memory_space<vmem_shared>>) offsets(%dma_start3A_369 : memref<112xi32, #tpu.memory_space<vmem>>) semaphore(%run_scoped3A_366 : memref<!tpu.dma_semaphore, #tpu.memory_space<semaphore_mem>>) {add = true}
        %dma_wait3A_373 = arith.constant 0 : i32
        %dma_wait3A_374 = tpu.memref_slice %arg7[%run_scoped3A_327, %dma_wait3A_373] : memref<20x112xi32, #tpu.memory_space<vmem>> -> memref<1x112xi32, #tpu.memory_space<vmem>>
        %dma_wait3A_375 = tpu.memref_squeeze %dma_wait3A_374 : memref<1x112xi32, #tpu.memory_space<vmem>> -> memref<112xi32, #tpu.memory_space<vmem>>
        %dma_wait3A_376 = arith.constant 0 : i32
        %dma_wait3A_377 = arith.constant 0 : i32
        %dma_wait3A_378 = tpu.memref_slice %arg5[%dma_wait3A_376, %dma_wait3A_377] : memref<10240x144xf32, #tpu.memory_space<vmem_shared>> -> memref<10240x144xf32, #tpu.memory_space<vmem_shared>>
        tpu.wait_indirect_dma semaphore(%run_scoped3A_366 : memref<!tpu.dma_semaphore, #tpu.memory_space<semaphore_mem>>) src(%arg8 : memref<112x144xf32, #tpu.memory_space<vmem>>) dst(%dma_wait3A_378 : memref<10240x144xf32, #tpu.memory_space<vmem_shared>>)
        tpu.yield
      }) : () -> ()
      %dma_start3A_328 = arith.constant 18 : i32
      %dma_start3A_329 = arith.constant 0 : i32
      %dma_start3A_330 = tpu.memref_slice %arg6[%dma_start3A_328, %dma_start3A_329] : memref<20x112xi32, #tpu.memory_space<vmem>> -> memref<1x112xi32, #tpu.memory_space<vmem>>
      %dma_start3A_331 = tpu.memref_squeeze %dma_start3A_330 : memref<1x112xi32, #tpu.memory_space<vmem>> -> memref<112xi32, #tpu.memory_space<vmem>>
      %dma_start3A_332 = arith.constant 0 : i32
      %dma_start3A_333 = arith.constant 0 : i32
      %dma_start3A_334 = tpu.memref_slice %arg2[%dma_start3A_332, %dma_start3A_333] : memref<10240x144xf32, #tpu.memory_space<hbm>> -> memref<10240x144xf32, #tpu.memory_space<hbm>>
      tpu.enqueue_indirect_dma source(%dma_start3A_334 : memref<10240x144xf32, #tpu.memory_space<hbm>>) target(%arg8 : memref<112x144xf32, #tpu.memory_space<vmem>>) offsets(%dma_start3A_331 : memref<112xi32, #tpu.memory_space<vmem>>) semaphore(%arg10 : memref<!tpu.dma_semaphore, #tpu.memory_space<semaphore_mem>>)
      %dma_wait3A_335 = arith.constant 17 : i32
      %dma_wait3A_336 = arith.constant 0 : i32
      %dma_wait3A_337 = tpu.memref_slice %arg6[%dma_wait3A_335, %dma_wait3A_336] : memref<20x112xi32, #tpu.memory_space<vmem>> -> memref<1x112xi32, #tpu.memory_space<vmem>>
      %dma_wait3A_338 = tpu.memref_squeeze %dma_wait3A_337 : memref<1x112xi32, #tpu.memory_space<vmem>> -> memref<112xi32, #tpu.memory_space<vmem>>
      %dma_wait3A_339 = arith.constant 0 : i32
      %dma_wait3A_340 = arith.constant 0 : i32
      %dma_wait3A_341 = tpu.memref_slice %arg2[%dma_wait3A_339, %dma_wait3A_340] : memref<10240x144xf32, #tpu.memory_space<hbm>> -> memref<10240x144xf32, #tpu.memory_space<hbm>>
      tpu.wait_indirect_dma semaphore(%arg11 : memref<!tpu.dma_semaphore, #tpu.memory_space<semaphore_mem>>) src(%dma_wait3A_341 : memref<10240x144xf32, #tpu.memory_space<hbm>>) dst(%arg9 : memref<112x144xf32, #tpu.memory_space<vmem>>)
      %run_scoped3A_342 = arith.constant 17 : i32
      "tpu.region"() ({
        %run_scoped3A_366 = tpu.sem_alloc : memref<!tpu.dma_semaphore, #tpu.memory_space<semaphore_mem>>
        %dma_start3A_367 = arith.constant 0 : i32
        %dma_start3A_368 = tpu.memref_slice %arg7[%run_scoped3A_342, %dma_start3A_367] : memref<20x112xi32, #tpu.memory_space<vmem>> -> memref<1x112xi32, #tpu.memory_space<vmem>>
        %dma_start3A_369 = tpu.memref_squeeze %dma_start3A_368 : memref<1x112xi32, #tpu.memory_space<vmem>> -> memref<112xi32, #tpu.memory_space<vmem>>
        %dma_start3A_370 = arith.constant 0 : i32
        %dma_start3A_371 = arith.constant 0 : i32
        %dma_start3A_372 = tpu.memref_slice %arg5[%dma_start3A_370, %dma_start3A_371] : memref<10240x144xf32, #tpu.memory_space<vmem_shared>> -> memref<10240x144xf32, #tpu.memory_space<vmem_shared>>
        tpu.enqueue_indirect_dma source(%arg9 : memref<112x144xf32, #tpu.memory_space<vmem>>) target(%dma_start3A_372 : memref<10240x144xf32, #tpu.memory_space<vmem_shared>>) offsets(%dma_start3A_369 : memref<112xi32, #tpu.memory_space<vmem>>) semaphore(%run_scoped3A_366 : memref<!tpu.dma_semaphore, #tpu.memory_space<semaphore_mem>>) {add = true}
        %dma_wait3A_373 = arith.constant 0 : i32
        %dma_wait3A_374 = tpu.memref_slice %arg7[%run_scoped3A_342, %dma_wait3A_373] : memref<20x112xi32, #tpu.memory_space<vmem>> -> memref<1x112xi32, #tpu.memory_space<vmem>>
        %dma_wait3A_375 = tpu.memref_squeeze %dma_wait3A_374 : memref<1x112xi32, #tpu.memory_space<vmem>> -> memref<112xi32, #tpu.memory_space<vmem>>
        %dma_wait3A_376 = arith.constant 0 : i32
        %dma_wait3A_377 = arith.constant 0 : i32
        %dma_wait3A_378 = tpu.memref_slice %arg5[%dma_wait3A_376, %dma_wait3A_377] : memref<10240x144xf32, #tpu.memory_space<vmem_shared>> -> memref<10240x144xf32, #tpu.memory_space<vmem_shared>>
        tpu.wait_indirect_dma semaphore(%run_scoped3A_366 : memref<!tpu.dma_semaphore, #tpu.memory_space<semaphore_mem>>) src(%arg9 : memref<112x144xf32, #tpu.memory_space<vmem>>) dst(%dma_wait3A_378 : memref<10240x144xf32, #tpu.memory_space<vmem_shared>>)
        tpu.yield
      }) : () -> ()
      %dma_start3A_343 = arith.constant 19 : i32
      %dma_start3A_344 = arith.constant 0 : i32
      %dma_start3A_345 = tpu.memref_slice %arg6[%dma_start3A_343, %dma_start3A_344] : memref<20x112xi32, #tpu.memory_space<vmem>> -> memref<1x112xi32, #tpu.memory_space<vmem>>
      %dma_start3A_346 = tpu.memref_squeeze %dma_start3A_345 : memref<1x112xi32, #tpu.memory_space<vmem>> -> memref<112xi32, #tpu.memory_space<vmem>>
      %dma_start3A_347 = arith.constant 0 : i32
      %dma_start3A_348 = arith.constant 0 : i32
      %dma_start3A_349 = tpu.memref_slice %arg2[%dma_start3A_347, %dma_start3A_348] : memref<10240x144xf32, #tpu.memory_space<hbm>> -> memref<10240x144xf32, #tpu.memory_space<hbm>>
      tpu.enqueue_indirect_dma source(%dma_start3A_349 : memref<10240x144xf32, #tpu.memory_space<hbm>>) target(%arg9 : memref<112x144xf32, #tpu.memory_space<vmem>>) offsets(%dma_start3A_346 : memref<112xi32, #tpu.memory_space<vmem>>) semaphore(%arg11 : memref<!tpu.dma_semaphore, #tpu.memory_space<semaphore_mem>>)
      %dma_wait3A_350 = arith.constant 18 : i32
      %dma_wait3A_351 = arith.constant 0 : i32
      %dma_wait3A_352 = tpu.memref_slice %arg6[%dma_wait3A_350, %dma_wait3A_351] : memref<20x112xi32, #tpu.memory_space<vmem>> -> memref<1x112xi32, #tpu.memory_space<vmem>>
      %dma_wait3A_353 = tpu.memref_squeeze %dma_wait3A_352 : memref<1x112xi32, #tpu.memory_space<vmem>> -> memref<112xi32, #tpu.memory_space<vmem>>
      %dma_wait3A_354 = arith.constant 0 : i32
      %dma_wait3A_355 = arith.constant 0 : i32
      %dma_wait3A_356 = tpu.memref_slice %arg2[%dma_wait3A_354, %dma_wait3A_355] : memref<10240x144xf32, #tpu.memory_space<hbm>> -> memref<10240x144xf32, #tpu.memory_space<hbm>>
      tpu.wait_indirect_dma semaphore(%arg10 : memref<!tpu.dma_semaphore, #tpu.memory_space<semaphore_mem>>) src(%dma_wait3A_356 : memref<10240x144xf32, #tpu.memory_space<hbm>>) dst(%arg8 : memref<112x144xf32, #tpu.memory_space<vmem>>)
      %run_scoped3A_357 = arith.constant 18 : i32
      "tpu.region"() ({
        %run_scoped3A_366 = tpu.sem_alloc : memref<!tpu.dma_semaphore, #tpu.memory_space<semaphore_mem>>
        %dma_start3A_367 = arith.constant 0 : i32
        %dma_start3A_368 = tpu.memref_slice %arg7[%run_scoped3A_357, %dma_start3A_367] : memref<20x112xi32, #tpu.memory_space<vmem>> -> memref<1x112xi32, #tpu.memory_space<vmem>>
        %dma_start3A_369 = tpu.memref_squeeze %dma_start3A_368 : memref<1x112xi32, #tpu.memory_space<vmem>> -> memref<112xi32, #tpu.memory_space<vmem>>
        %dma_start3A_370 = arith.constant 0 : i32
        %dma_start3A_371 = arith.constant 0 : i32
        %dma_start3A_372 = tpu.memref_slice %arg5[%dma_start3A_370, %dma_start3A_371] : memref<10240x144xf32, #tpu.memory_space<vmem_shared>> -> memref<10240x144xf32, #tpu.memory_space<vmem_shared>>
        tpu.enqueue_indirect_dma source(%arg8 : memref<112x144xf32, #tpu.memory_space<vmem>>) target(%dma_start3A_372 : memref<10240x144xf32, #tpu.memory_space<vmem_shared>>) offsets(%dma_start3A_369 : memref<112xi32, #tpu.memory_space<vmem>>) semaphore(%run_scoped3A_366 : memref<!tpu.dma_semaphore, #tpu.memory_space<semaphore_mem>>) {add = true}
        %dma_wait3A_373 = arith.constant 0 : i32
        %dma_wait3A_374 = tpu.memref_slice %arg7[%run_scoped3A_357, %dma_wait3A_373] : memref<20x112xi32, #tpu.memory_space<vmem>> -> memref<1x112xi32, #tpu.memory_space<vmem>>
        %dma_wait3A_375 = tpu.memref_squeeze %dma_wait3A_374 : memref<1x112xi32, #tpu.memory_space<vmem>> -> memref<112xi32, #tpu.memory_space<vmem>>
        %dma_wait3A_376 = arith.constant 0 : i32
        %dma_wait3A_377 = arith.constant 0 : i32
        %dma_wait3A_378 = tpu.memref_slice %arg5[%dma_wait3A_376, %dma_wait3A_377] : memref<10240x144xf32, #tpu.memory_space<vmem_shared>> -> memref<10240x144xf32, #tpu.memory_space<vmem_shared>>
        tpu.wait_indirect_dma semaphore(%run_scoped3A_366 : memref<!tpu.dma_semaphore, #tpu.memory_space<semaphore_mem>>) src(%arg8 : memref<112x144xf32, #tpu.memory_space<vmem>>) dst(%dma_wait3A_378 : memref<10240x144xf32, #tpu.memory_space<vmem_shared>>)
        tpu.yield
      }) : () -> ()
      %dma_wait3A_358 = arith.constant 19 : i32
      %dma_wait3A_359 = arith.constant 0 : i32
      %dma_wait3A_360 = tpu.memref_slice %arg6[%dma_wait3A_358, %dma_wait3A_359] : memref<20x112xi32, #tpu.memory_space<vmem>> -> memref<1x112xi32, #tpu.memory_space<vmem>>
      %dma_wait3A_361 = tpu.memref_squeeze %dma_wait3A_360 : memref<1x112xi32, #tpu.memory_space<vmem>> -> memref<112xi32, #tpu.memory_space<vmem>>
      %dma_wait3A_362 = arith.constant 0 : i32
      %dma_wait3A_363 = arith.constant 0 : i32
      %dma_wait3A_364 = tpu.memref_slice %arg2[%dma_wait3A_362, %dma_wait3A_363] : memref<10240x144xf32, #tpu.memory_space<hbm>> -> memref<10240x144xf32, #tpu.memory_space<hbm>>
      tpu.wait_indirect_dma semaphore(%arg11 : memref<!tpu.dma_semaphore, #tpu.memory_space<semaphore_mem>>) src(%dma_wait3A_364 : memref<10240x144xf32, #tpu.memory_space<hbm>>) dst(%arg9 : memref<112x144xf32, #tpu.memory_space<vmem>>)
      %run_scoped3A_365 = arith.constant 19 : i32
      "tpu.region"() ({
        %run_scoped3A_366 = tpu.sem_alloc : memref<!tpu.dma_semaphore, #tpu.memory_space<semaphore_mem>>
        %dma_start3A_367 = arith.constant 0 : i32
        %dma_start3A_368 = tpu.memref_slice %arg7[%run_scoped3A_365, %dma_start3A_367] : memref<20x112xi32, #tpu.memory_space<vmem>> -> memref<1x112xi32, #tpu.memory_space<vmem>>
        %dma_start3A_369 = tpu.memref_squeeze %dma_start3A_368 : memref<1x112xi32, #tpu.memory_space<vmem>> -> memref<112xi32, #tpu.memory_space<vmem>>
        %dma_start3A_370 = arith.constant 0 : i32
        %dma_start3A_371 = arith.constant 0 : i32
        %dma_start3A_372 = tpu.memref_slice %arg5[%dma_start3A_370, %dma_start3A_371] : memref<10240x144xf32, #tpu.memory_space<vmem_shared>> -> memref<10240x144xf32, #tpu.memory_space<vmem_shared>>
        tpu.enqueue_indirect_dma source(%arg9 : memref<112x144xf32, #tpu.memory_space<vmem>>) target(%dma_start3A_372 : memref<10240x144xf32, #tpu.memory_space<vmem_shared>>) offsets(%dma_start3A_369 : memref<112xi32, #tpu.memory_space<vmem>>) semaphore(%run_scoped3A_366 : memref<!tpu.dma_semaphore, #tpu.memory_space<semaphore_mem>>) {add = true}
        %dma_wait3A_373 = arith.constant 0 : i32
        %dma_wait3A_374 = tpu.memref_slice %arg7[%run_scoped3A_365, %dma_wait3A_373] : memref<20x112xi32, #tpu.memory_space<vmem>> -> memref<1x112xi32, #tpu.memory_space<vmem>>
        %dma_wait3A_375 = tpu.memref_squeeze %dma_wait3A_374 : memref<1x112xi32, #tpu.memory_space<vmem>> -> memref<112xi32, #tpu.memory_space<vmem>>
        %dma_wait3A_376 = arith.constant 0 : i32
        %dma_wait3A_377 = arith.constant 0 : i32
        %dma_wait3A_378 = tpu.memref_slice %arg5[%dma_wait3A_376, %dma_wait3A_377] : memref<10240x144xf32, #tpu.memory_space<vmem_shared>> -> memref<10240x144xf32, #tpu.memory_space<vmem_shared>>
        tpu.wait_indirect_dma semaphore(%run_scoped3A_366 : memref<!tpu.dma_semaphore, #tpu.memory_space<semaphore_mem>>) src(%arg9 : memref<112x144xf32, #tpu.memory_space<vmem>>) dst(%dma_wait3A_378 : memref<10240x144xf32, #tpu.memory_space<vmem_shared>>)
        tpu.yield
      }) : () -> ()
    }
    %scan3A_33 = arith.constant 9 : i32
    %barrier3A_34 = arith.constant 0 : index
    tpu.barrier barrier_id(%barrier3A_34)
    %mul3A_35 = arith.constant 10240 : i32
    %mul3A_36 = arith.muli %arg0, %mul3A_35 : i32
    %add3A_37 = arith.addi %mul3A_36, %mul3A_0 : i32
    %add3A_38 = arith.constant 0 : i32
    %add3A_39 = arith.addi %mul3A_0, %add3A_38 : i32
    "tpu.region"() ({
      %run_scoped3A = tpu.sem_alloc : memref<!tpu.dma_semaphore, #tpu.memory_space<semaphore_mem>>
      %dma_start3A = arith.constant 0 : i32
      %dma_start3A_62 = tpu.memref_slice %arg5[%add3A_39, %dma_start3A] : memref<10240x144xf32, #tpu.memory_space<vmem_shared>> -> memref<112x144xf32, #tpu.memory_space<vmem_shared>>
      %dma_start3A_63 = arith.constant 0 : i32
      %dma_start3A_64 = tpu.memref_slice %arg5[%add3A_39, %dma_start3A_63] : memref<10240x144xf32, #tpu.memory_space<vmem_shared>> -> memref<112x144xf32, #tpu.memory_space<vmem_shared>>
      tpu.enqueue_dma source(%dma_start3A_64 : memref<112x144xf32, #tpu.memory_space<vmem_shared>>) target(%arg8 : memref<112x144xf32, #tpu.memory_space<vmem>>) target_semaphore(%run_scoped3A : memref<!tpu.dma_semaphore, #tpu.memory_space<semaphore_mem>>)
      %dma_wait3A = arith.constant 0 : i32
      %dma_wait3A_65 = tpu.memref_slice %arg5[%add3A_39, %dma_wait3A] : memref<10240x144xf32, #tpu.memory_space<vmem_shared>> -> memref<112x144xf32, #tpu.memory_space<vmem_shared>>
      %dma_wait3A_66 = arith.constant 0 : i32
      %dma_wait3A_67 = tpu.memref_slice %arg5[%add3A_39, %dma_wait3A_66] : memref<10240x144xf32, #tpu.memory_space<vmem_shared>> -> memref<112x144xf32, #tpu.memory_space<vmem_shared>>
      tpu.wait_dma2 semaphore(%run_scoped3A : memref<!tpu.dma_semaphore, #tpu.memory_space<semaphore_mem>>) src(%dma_wait3A_67 : memref<112x144xf32, #tpu.memory_space<vmem_shared>>) dst(%arg8 : memref<112x144xf32, #tpu.memory_space<vmem>>)
      tpu.yield
    }) : () -> ()
    %add3A_40 = arith.constant 0 : i32
    %add3A_41 = arith.addi %add3A_37, %add3A_40 : i32
    "tpu.region"() ({
      %run_scoped3A = tpu.sem_alloc : memref<!tpu.dma_semaphore, #tpu.memory_space<semaphore_mem>>
      %dma_start3A = arith.constant 0 : i32
      %dma_start3A_62 = tpu.memref_slice %arg4[%add3A_41, %dma_start3A] : memref<20480x144xf32, #tpu.memory_space<hbm>> -> memref<112x144xf32, #tpu.memory_space<hbm>>
      %dma_start3A_63 = arith.constant 0 : i32
      %dma_start3A_64 = tpu.memref_slice %arg4[%add3A_41, %dma_start3A_63] : memref<20480x144xf32, #tpu.memory_space<hbm>> -> memref<112x144xf32, #tpu.memory_space<hbm>>
      tpu.enqueue_dma source(%arg8 : memref<112x144xf32, #tpu.memory_space<vmem>>) target(%dma_start3A_64 : memref<112x144xf32, #tpu.memory_space<hbm>>) target_semaphore(%run_scoped3A : memref<!tpu.dma_semaphore, #tpu.memory_space<semaphore_mem>>)
      %dma_wait3A = arith.constant 0 : i32
      %dma_wait3A_65 = tpu.memref_slice %arg4[%add3A_41, %dma_wait3A] : memref<20480x144xf32, #tpu.memory_space<hbm>> -> memref<112x144xf32, #tpu.memory_space<hbm>>
      %dma_wait3A_66 = arith.constant 0 : i32
      %dma_wait3A_67 = tpu.memref_slice %arg4[%add3A_41, %dma_wait3A_66] : memref<20480x144xf32, #tpu.memory_space<hbm>> -> memref<112x144xf32, #tpu.memory_space<hbm>>
      tpu.wait_dma2 semaphore(%run_scoped3A : memref<!tpu.dma_semaphore, #tpu.memory_space<semaphore_mem>>) src(%arg8 : memref<112x144xf32, #tpu.memory_space<vmem>>) dst(%dma_wait3A_67 : memref<112x144xf32, #tpu.memory_space<hbm>>)
      tpu.yield
    }) : () -> ()
    %add3A_42 = arith.constant 112 : i32
    %add3A_43 = arith.addi %mul3A_0, %add3A_42 : i32
    "tpu.region"() ({
      %run_scoped3A = tpu.sem_alloc : memref<!tpu.dma_semaphore, #tpu.memory_space<semaphore_mem>>
      %dma_start3A = arith.constant 0 : i32
      %dma_start3A_62 = tpu.memref_slice %arg5[%add3A_43, %dma_start3A] : memref<10240x144xf32, #tpu.memory_space<vmem_shared>> -> memref<112x144xf32, #tpu.memory_space<vmem_shared>>
      %dma_start3A_63 = arith.constant 0 : i32
      %dma_start3A_64 = tpu.memref_slice %arg5[%add3A_43, %dma_start3A_63] : memref<10240x144xf32, #tpu.memory_space<vmem_shared>> -> memref<112x144xf32, #tpu.memory_space<vmem_shared>>
      tpu.enqueue_dma source(%dma_start3A_64 : memref<112x144xf32, #tpu.memory_space<vmem_shared>>) target(%arg8 : memref<112x144xf32, #tpu.memory_space<vmem>>) target_semaphore(%run_scoped3A : memref<!tpu.dma_semaphore, #tpu.memory_space<semaphore_mem>>)
      %dma_wait3A = arith.constant 0 : i32
      %dma_wait3A_65 = tpu.memref_slice %arg5[%add3A_43, %dma_wait3A] : memref<10240x144xf32, #tpu.memory_space<vmem_shared>> -> memref<112x144xf32, #tpu.memory_space<vmem_shared>>
      %dma_wait3A_66 = arith.constant 0 : i32
      %dma_wait3A_67 = tpu.memref_slice %arg5[%add3A_43, %dma_wait3A_66] : memref<10240x144xf32, #tpu.memory_space<vmem_shared>> -> memref<112x144xf32, #tpu.memory_space<vmem_shared>>
      tpu.wait_dma2 semaphore(%run_scoped3A : memref<!tpu.dma_semaphore, #tpu.memory_space<semaphore_mem>>) src(%dma_wait3A_67 : memref<112x144xf32, #tpu.memory_space<vmem_shared>>) dst(%arg8 : memref<112x144xf32, #tpu.memory_space<vmem>>)
      tpu.yield
    }) : () -> ()
    %add3A_44 = arith.constant 112 : i32
    %add3A_45 = arith.addi %add3A_37, %add3A_44 : i32
    "tpu.region"() ({
      %run_scoped3A = tpu.sem_alloc : memref<!tpu.dma_semaphore, #tpu.memory_space<semaphore_mem>>
      %dma_start3A = arith.constant 0 : i32
      %dma_start3A_62 = tpu.memref_slice %arg4[%add3A_45, %dma_start3A] : memref<20480x144xf32, #tpu.memory_space<hbm>> -> memref<112x144xf32, #tpu.memory_space<hbm>>
      %dma_start3A_63 = arith.constant 0 : i32
      %dma_start3A_64 = tpu.memref_slice %arg4[%add3A_45, %dma_start3A_63] : memref<20480x144xf32, #tpu.memory_space<hbm>> -> memref<112x144xf32, #tpu.memory_space<hbm>>
      tpu.enqueue_dma source(%arg8 : memref<112x144xf32, #tpu.memory_space<vmem>>) target(%dma_start3A_64 : memref<112x144xf32, #tpu.memory_space<hbm>>) target_semaphore(%run_scoped3A : memref<!tpu.dma_semaphore, #tpu.memory_space<semaphore_mem>>)
      %dma_wait3A = arith.constant 0 : i32
      %dma_wait3A_65 = tpu.memref_slice %arg4[%add3A_45, %dma_wait3A] : memref<20480x144xf32, #tpu.memory_space<hbm>> -> memref<112x144xf32, #tpu.memory_space<hbm>>
      %dma_wait3A_66 = arith.constant 0 : i32
      %dma_wait3A_67 = tpu.memref_slice %arg4[%add3A_45, %dma_wait3A_66] : memref<20480x144xf32, #tpu.memory_space<hbm>> -> memref<112x144xf32, #tpu.memory_space<hbm>>
      tpu.wait_dma2 semaphore(%run_scoped3A : memref<!tpu.dma_semaphore, #tpu.memory_space<semaphore_mem>>) src(%arg8 : memref<112x144xf32, #tpu.memory_space<vmem>>) dst(%dma_wait3A_67 : memref<112x144xf32, #tpu.memory_space<hbm>>)
      tpu.yield
    }) : () -> ()
    %add3A_46 = arith.constant 224 : i32
    %add3A_47 = arith.addi %mul3A_0, %add3A_46 : i32
    "tpu.region"() ({
      %run_scoped3A = tpu.sem_alloc : memref<!tpu.dma_semaphore, #tpu.memory_space<semaphore_mem>>
      %dma_start3A = arith.constant 0 : i32
      %dma_start3A_62 = tpu.memref_slice %arg5[%add3A_47, %dma_start3A] : memref<10240x144xf32, #tpu.memory_space<vmem_shared>> -> memref<112x144xf32, #tpu.memory_space<vmem_shared>>
      %dma_start3A_63 = arith.constant 0 : i32
      %dma_start3A_64 = tpu.memref_slice %arg5[%add3A_47, %dma_start3A_63] : memref<10240x144xf32, #tpu.memory_space<vmem_shared>> -> memref<112x144xf32, #tpu.memory_space<vmem_shared>>
      tpu.enqueue_dma source(%dma_start3A_64 : memref<112x144xf32, #tpu.memory_space<vmem_shared>>) target(%arg8 : memref<112x144xf32, #tpu.memory_space<vmem>>) target_semaphore(%run_scoped3A : memref<!tpu.dma_semaphore, #tpu.memory_space<semaphore_mem>>)
      %dma_wait3A = arith.constant 0 : i32
      %dma_wait3A_65 = tpu.memref_slice %arg5[%add3A_47, %dma_wait3A] : memref<10240x144xf32, #tpu.memory_space<vmem_shared>> -> memref<112x144xf32, #tpu.memory_space<vmem_shared>>
      %dma_wait3A_66 = arith.constant 0 : i32
      %dma_wait3A_67 = tpu.memref_slice %arg5[%add3A_47, %dma_wait3A_66] : memref<10240x144xf32, #tpu.memory_space<vmem_shared>> -> memref<112x144xf32, #tpu.memory_space<vmem_shared>>
      tpu.wait_dma2 semaphore(%run_scoped3A : memref<!tpu.dma_semaphore, #tpu.memory_space<semaphore_mem>>) src(%dma_wait3A_67 : memref<112x144xf32, #tpu.memory_space<vmem_shared>>) dst(%arg8 : memref<112x144xf32, #tpu.memory_space<vmem>>)
      tpu.yield
    }) : () -> ()
    %add3A_48 = arith.constant 224 : i32
    %add3A_49 = arith.addi %add3A_37, %add3A_48 : i32
    "tpu.region"() ({
      %run_scoped3A = tpu.sem_alloc : memref<!tpu.dma_semaphore, #tpu.memory_space<semaphore_mem>>
      %dma_start3A = arith.constant 0 : i32
      %dma_start3A_62 = tpu.memref_slice %arg4[%add3A_49, %dma_start3A] : memref<20480x144xf32, #tpu.memory_space<hbm>> -> memref<112x144xf32, #tpu.memory_space<hbm>>
      %dma_start3A_63 = arith.constant 0 : i32
      %dma_start3A_64 = tpu.memref_slice %arg4[%add3A_49, %dma_start3A_63] : memref<20480x144xf32, #tpu.memory_space<hbm>> -> memref<112x144xf32, #tpu.memory_space<hbm>>
      tpu.enqueue_dma source(%arg8 : memref<112x144xf32, #tpu.memory_space<vmem>>) target(%dma_start3A_64 : memref<112x144xf32, #tpu.memory_space<hbm>>) target_semaphore(%run_scoped3A : memref<!tpu.dma_semaphore, #tpu.memory_space<semaphore_mem>>)
      %dma_wait3A = arith.constant 0 : i32
      %dma_wait3A_65 = tpu.memref_slice %arg4[%add3A_49, %dma_wait3A] : memref<20480x144xf32, #tpu.memory_space<hbm>> -> memref<112x144xf32, #tpu.memory_space<hbm>>
      %dma_wait3A_66 = arith.constant 0 : i32
      %dma_wait3A_67 = tpu.memref_slice %arg4[%add3A_49, %dma_wait3A_66] : memref<20480x144xf32, #tpu.memory_space<hbm>> -> memref<112x144xf32, #tpu.memory_space<hbm>>
      tpu.wait_dma2 semaphore(%run_scoped3A : memref<!tpu.dma_semaphore, #tpu.memory_space<semaphore_mem>>) src(%arg8 : memref<112x144xf32, #tpu.memory_space<vmem>>) dst(%dma_wait3A_67 : memref<112x144xf32, #tpu.memory_space<hbm>>)
      tpu.yield
    }) : () -> ()
    %add3A_50 = arith.constant 336 : i32
    %add3A_51 = arith.addi %mul3A_0, %add3A_50 : i32
    "tpu.region"() ({
      %run_scoped3A = tpu.sem_alloc : memref<!tpu.dma_semaphore, #tpu.memory_space<semaphore_mem>>
      %dma_start3A = arith.constant 0 : i32
      %dma_start3A_62 = tpu.memref_slice %arg5[%add3A_51, %dma_start3A] : memref<10240x144xf32, #tpu.memory_space<vmem_shared>> -> memref<112x144xf32, #tpu.memory_space<vmem_shared>>
      %dma_start3A_63 = arith.constant 0 : i32
      %dma_start3A_64 = tpu.memref_slice %arg5[%add3A_51, %dma_start3A_63] : memref<10240x144xf32, #tpu.memory_space<vmem_shared>> -> memref<112x144xf32, #tpu.memory_space<vmem_shared>>
      tpu.enqueue_dma source(%dma_start3A_64 : memref<112x144xf32, #tpu.memory_space<vmem_shared>>) target(%arg8 : memref<112x144xf32, #tpu.memory_space<vmem>>) target_semaphore(%run_scoped3A : memref<!tpu.dma_semaphore, #tpu.memory_space<semaphore_mem>>)
      %dma_wait3A = arith.constant 0 : i32
      %dma_wait3A_65 = tpu.memref_slice %arg5[%add3A_51, %dma_wait3A] : memref<10240x144xf32, #tpu.memory_space<vmem_shared>> -> memref<112x144xf32, #tpu.memory_space<vmem_shared>>
      %dma_wait3A_66 = arith.constant 0 : i32
      %dma_wait3A_67 = tpu.memref_slice %arg5[%add3A_51, %dma_wait3A_66] : memref<10240x144xf32, #tpu.memory_space<vmem_shared>> -> memref<112x144xf32, #tpu.memory_space<vmem_shared>>
      tpu.wait_dma2 semaphore(%run_scoped3A : memref<!tpu.dma_semaphore, #tpu.memory_space<semaphore_mem>>) src(%dma_wait3A_67 : memref<112x144xf32, #tpu.memory_space<vmem_shared>>) dst(%arg8 : memref<112x144xf32, #tpu.memory_space<vmem>>)
      tpu.yield
    }) : () -> ()
    %add3A_52 = arith.constant 336 : i32
    %add3A_53 = arith.addi %add3A_37, %add3A_52 : i32
    "tpu.region"() ({
      %run_scoped3A = tpu.sem_alloc : memref<!tpu.dma_semaphore, #tpu.memory_space<semaphore_mem>>
      %dma_start3A = arith.constant 0 : i32
      %dma_start3A_62 = tpu.memref_slice %arg4[%add3A_53, %dma_start3A] : memref<20480x144xf32, #tpu.memory_space<hbm>> -> memref<112x144xf32, #tpu.memory_space<hbm>>
      %dma_start3A_63 = arith.constant 0 : i32
      %dma_start3A_64 = tpu.memref_slice %arg4[%add3A_53, %dma_start3A_63] : memref<20480x144xf32, #tpu.memory_space<hbm>> -> memref<112x144xf32, #tpu.memory_space<hbm>>
      tpu.enqueue_dma source(%arg8 : memref<112x144xf32, #tpu.memory_space<vmem>>) target(%dma_start3A_64 : memref<112x144xf32, #tpu.memory_space<hbm>>) target_semaphore(%run_scoped3A : memref<!tpu.dma_semaphore, #tpu.memory_space<semaphore_mem>>)
      %dma_wait3A = arith.constant 0 : i32
      %dma_wait3A_65 = tpu.memref_slice %arg4[%add3A_53, %dma_wait3A] : memref<20480x144xf32, #tpu.memory_space<hbm>> -> memref<112x144xf32, #tpu.memory_space<hbm>>
      %dma_wait3A_66 = arith.constant 0 : i32
      %dma_wait3A_67 = tpu.memref_slice %arg4[%add3A_53, %dma_wait3A_66] : memref<20480x144xf32, #tpu.memory_space<hbm>> -> memref<112x144xf32, #tpu.memory_space<hbm>>
      tpu.wait_dma2 semaphore(%run_scoped3A : memref<!tpu.dma_semaphore, #tpu.memory_space<semaphore_mem>>) src(%arg8 : memref<112x144xf32, #tpu.memory_space<vmem>>) dst(%dma_wait3A_67 : memref<112x144xf32, #tpu.memory_space<hbm>>)
      tpu.yield
    }) : () -> ()
    %add3A_54 = arith.constant 448 : i32
    %add3A_55 = arith.addi %mul3A_0, %add3A_54 : i32
    "tpu.region"() ({
      %run_scoped3A = tpu.sem_alloc : memref<!tpu.dma_semaphore, #tpu.memory_space<semaphore_mem>>
      %dma_start3A = arith.constant 0 : i32
      %dma_start3A_62 = tpu.memref_slice %arg5[%add3A_55, %dma_start3A] : memref<10240x144xf32, #tpu.memory_space<vmem_shared>> -> memref<112x144xf32, #tpu.memory_space<vmem_shared>>
      %dma_start3A_63 = arith.constant 0 : i32
      %dma_start3A_64 = tpu.memref_slice %arg5[%add3A_55, %dma_start3A_63] : memref<10240x144xf32, #tpu.memory_space<vmem_shared>> -> memref<112x144xf32, #tpu.memory_space<vmem_shared>>
      tpu.enqueue_dma source(%dma_start3A_64 : memref<112x144xf32, #tpu.memory_space<vmem_shared>>) target(%arg8 : memref<112x144xf32, #tpu.memory_space<vmem>>) target_semaphore(%run_scoped3A : memref<!tpu.dma_semaphore, #tpu.memory_space<semaphore_mem>>)
      %dma_wait3A = arith.constant 0 : i32
      %dma_wait3A_65 = tpu.memref_slice %arg5[%add3A_55, %dma_wait3A] : memref<10240x144xf32, #tpu.memory_space<vmem_shared>> -> memref<112x144xf32, #tpu.memory_space<vmem_shared>>
      %dma_wait3A_66 = arith.constant 0 : i32
      %dma_wait3A_67 = tpu.memref_slice %arg5[%add3A_55, %dma_wait3A_66] : memref<10240x144xf32, #tpu.memory_space<vmem_shared>> -> memref<112x144xf32, #tpu.memory_space<vmem_shared>>
      tpu.wait_dma2 semaphore(%run_scoped3A : memref<!tpu.dma_semaphore, #tpu.memory_space<semaphore_mem>>) src(%dma_wait3A_67 : memref<112x144xf32, #tpu.memory_space<vmem_shared>>) dst(%arg8 : memref<112x144xf32, #tpu.memory_space<vmem>>)
      tpu.yield
    }) : () -> ()
    %add3A_56 = arith.constant 448 : i32
    %add3A_57 = arith.addi %add3A_37, %add3A_56 : i32
    "tpu.region"() ({
      %run_scoped3A = tpu.sem_alloc : memref<!tpu.dma_semaphore, #tpu.memory_space<semaphore_mem>>
      %dma_start3A = arith.constant 0 : i32
      %dma_start3A_62 = tpu.memref_slice %arg4[%add3A_57, %dma_start3A] : memref<20480x144xf32, #tpu.memory_space<hbm>> -> memref<112x144xf32, #tpu.memory_space<hbm>>
      %dma_start3A_63 = arith.constant 0 : i32
      %dma_start3A_64 = tpu.memref_slice %arg4[%add3A_57, %dma_start3A_63] : memref<20480x144xf32, #tpu.memory_space<hbm>> -> memref<112x144xf32, #tpu.memory_space<hbm>>
      tpu.enqueue_dma source(%arg8 : memref<112x144xf32, #tpu.memory_space<vmem>>) target(%dma_start3A_64 : memref<112x144xf32, #tpu.memory_space<hbm>>) target_semaphore(%run_scoped3A : memref<!tpu.dma_semaphore, #tpu.memory_space<semaphore_mem>>)
      %dma_wait3A = arith.constant 0 : i32
      %dma_wait3A_65 = tpu.memref_slice %arg4[%add3A_57, %dma_wait3A] : memref<20480x144xf32, #tpu.memory_space<hbm>> -> memref<112x144xf32, #tpu.memory_space<hbm>>
      %dma_wait3A_66 = arith.constant 0 : i32
      %dma_wait3A_67 = tpu.memref_slice %arg4[%add3A_57, %dma_wait3A_66] : memref<20480x144xf32, #tpu.memory_space<hbm>> -> memref<112x144xf32, #tpu.memory_space<hbm>>
      tpu.wait_dma2 semaphore(%run_scoped3A : memref<!tpu.dma_semaphore, #tpu.memory_space<semaphore_mem>>) src(%arg8 : memref<112x144xf32, #tpu.memory_space<vmem>>) dst(%dma_wait3A_67 : memref<112x144xf32, #tpu.memory_space<hbm>>)
      tpu.yield
    }) : () -> ()
    %add3A_58 = arith.constant 560 : i32
    %add3A_59 = arith.addi %mul3A_0, %add3A_58 : i32
    "tpu.region"() ({
      %run_scoped3A = tpu.sem_alloc : memref<!tpu.dma_semaphore, #tpu.memory_space<semaphore_mem>>
      %dma_start3A = arith.constant 0 : i32
      %dma_start3A_62 = arith.constant 0 : i32
      %dma_start3A_63 = tpu.memref_slice %arg8[%dma_start3A, %dma_start3A_62] : memref<112x144xf32, #tpu.memory_space<vmem>> -> memref<80x144xf32, #tpu.memory_space<vmem>>
      %dma_start3A_64 = arith.constant 0 : i32
      %dma_start3A_65 = tpu.memref_slice %arg5[%add3A_59, %dma_start3A_64] : memref<10240x144xf32, #tpu.memory_space<vmem_shared>> -> memref<80x144xf32, #tpu.memory_space<vmem_shared>>
      %dma_start3A_66 = arith.constant 0 : i32
      %dma_start3A_67 = arith.constant 0 : i32
      %dma_start3A_68 = tpu.memref_slice %arg8[%dma_start3A_66, %dma_start3A_67] : memref<112x144xf32, #tpu.memory_space<vmem>> -> memref<80x144xf32, #tpu.memory_space<vmem>>
      %dma_start3A_69 = arith.constant 0 : i32
      %dma_start3A_70 = tpu.memref_slice %arg5[%add3A_59, %dma_start3A_69] : memref<10240x144xf32, #tpu.memory_space<vmem_shared>> -> memref<80x144xf32, #tpu.memory_space<vmem_shared>>
      tpu.enqueue_dma source(%dma_start3A_70 : memref<80x144xf32, #tpu.memory_space<vmem_shared>>) target(%dma_start3A_68 : memref<80x144xf32, #tpu.memory_space<vmem>>) target_semaphore(%run_scoped3A : memref<!tpu.dma_semaphore, #tpu.memory_space<semaphore_mem>>)
      %dma_wait3A = arith.constant 0 : i32
      %dma_wait3A_71 = arith.constant 0 : i32
      %dma_wait3A_72 = tpu.memref_slice %arg8[%dma_wait3A, %dma_wait3A_71] : memref<112x144xf32, #tpu.memory_space<vmem>> -> memref<80x144xf32, #tpu.memory_space<vmem>>
      %dma_wait3A_73 = arith.constant 0 : i32
      %dma_wait3A_74 = tpu.memref_slice %arg5[%add3A_59, %dma_wait3A_73] : memref<10240x144xf32, #tpu.memory_space<vmem_shared>> -> memref<80x144xf32, #tpu.memory_space<vmem_shared>>
      %dma_wait3A_75 = arith.constant 0 : i32
      %dma_wait3A_76 = arith.constant 0 : i32
      %dma_wait3A_77 = tpu.memref_slice %arg8[%dma_wait3A_75, %dma_wait3A_76] : memref<112x144xf32, #tpu.memory_space<vmem>> -> memref<80x144xf32, #tpu.memory_space<vmem>>
      %dma_wait3A_78 = arith.constant 0 : i32
      %dma_wait3A_79 = tpu.memref_slice %arg5[%add3A_59, %dma_wait3A_78] : memref<10240x144xf32, #tpu.memory_space<vmem_shared>> -> memref<80x144xf32, #tpu.memory_space<vmem_shared>>
      tpu.wait_dma2 semaphore(%run_scoped3A : memref<!tpu.dma_semaphore, #tpu.memory_space<semaphore_mem>>) src(%dma_wait3A_79 : memref<80x144xf32, #tpu.memory_space<vmem_shared>>) dst(%dma_wait3A_77 : memref<80x144xf32, #tpu.memory_space<vmem>>)
      tpu.yield
    }) : () -> ()
    %add3A_60 = arith.constant 560 : i32
    %add3A_61 = arith.addi %add3A_37, %add3A_60 : i32
    "tpu.region"() ({
      %run_scoped3A = tpu.sem_alloc : memref<!tpu.dma_semaphore, #tpu.memory_space<semaphore_mem>>
      %dma_start3A = arith.constant 0 : i32
      %dma_start3A_62 = arith.constant 0 : i32
      %dma_start3A_63 = tpu.memref_slice %arg8[%dma_start3A, %dma_start3A_62] : memref<112x144xf32, #tpu.memory_space<vmem>> -> memref<80x144xf32, #tpu.memory_space<vmem>>
      %dma_start3A_64 = arith.constant 0 : i32
      %dma_start3A_65 = tpu.memref_slice %arg4[%add3A_61, %dma_start3A_64] : memref<20480x144xf32, #tpu.memory_space<hbm>> -> memref<80x144xf32, #tpu.memory_space<hbm>>
      %dma_start3A_66 = arith.constant 0 : i32
      %dma_start3A_67 = tpu.memref_slice %arg4[%add3A_61, %dma_start3A_66] : memref<20480x144xf32, #tpu.memory_space<hbm>> -> memref<80x144xf32, #tpu.memory_space<hbm>>
      %dma_start3A_68 = arith.constant 0 : i32
      %dma_start3A_69 = arith.constant 0 : i32
      %dma_start3A_70 = tpu.memref_slice %arg8[%dma_start3A_68, %dma_start3A_69] : memref<112x144xf32, #tpu.memory_space<vmem>> -> memref<80x144xf32, #tpu.memory_space<vmem>>
      tpu.enqueue_dma source(%dma_start3A_70 : memref<80x144xf32, #tpu.memory_space<vmem>>) target(%dma_start3A_67 : memref<80x144xf32, #tpu.memory_space<hbm>>) target_semaphore(%run_scoped3A : memref<!tpu.dma_semaphore, #tpu.memory_space<semaphore_mem>>)
      %dma_wait3A = arith.constant 0 : i32
      %dma_wait3A_71 = arith.constant 0 : i32
      %dma_wait3A_72 = tpu.memref_slice %arg8[%dma_wait3A, %dma_wait3A_71] : memref<112x144xf32, #tpu.memory_space<vmem>> -> memref<80x144xf32, #tpu.memory_space<vmem>>
      %dma_wait3A_73 = arith.constant 0 : i32
      %dma_wait3A_74 = tpu.memref_slice %arg4[%add3A_61, %dma_wait3A_73] : memref<20480x144xf32, #tpu.memory_space<hbm>> -> memref<80x144xf32, #tpu.memory_space<hbm>>
      %dma_wait3A_75 = arith.constant 0 : i32
      %dma_wait3A_76 = tpu.memref_slice %arg4[%add3A_61, %dma_wait3A_75] : memref<20480x144xf32, #tpu.memory_space<hbm>> -> memref<80x144xf32, #tpu.memory_space<hbm>>
      %dma_wait3A_77 = arith.constant 0 : i32
      %dma_wait3A_78 = arith.constant 0 : i32
      %dma_wait3A_79 = tpu.memref_slice %arg8[%dma_wait3A_77, %dma_wait3A_78] : memref<112x144xf32, #tpu.memory_space<vmem>> -> memref<80x144xf32, #tpu.memory_space<vmem>>
      tpu.wait_dma2 semaphore(%run_scoped3A : memref<!tpu.dma_semaphore, #tpu.memory_space<semaphore_mem>>) src(%dma_wait3A_79 : memref<80x144xf32, #tpu.memory_space<vmem>>) dst(%dma_wait3A_76 : memref<80x144xf32, #tpu.memory_space<hbm>>)
      tpu.yield
    }) : () -> ()
    return
  }
}

module attributes {stable_mosaic.version = 14 : i64} {
  func.func @_combine_body(%arg0: i32, %arg1: memref<1000x144xf32, #tpu.memory_space<vmem>>, %arg2: memref<2x1000x144xf32, #tpu.memory_space<vmem>>, %arg3: memref<384x128xf32, #tpu.memory_space<vmem>>, %arg4: memref<1000x128xf32, #tpu.memory_space<vmem>>) attributes {dimension_semantics = [#tpu.dimension_semantics<arbitrary>], iteration_bounds = array<i64: 10>, scalar_prefetch = 0 : i64, scratch_operands = 0 : i64, tpu.core_type = #tpu.core_type<tc>, window_params = [{transform_indices = @transform_0, window_bounds = array<i64: 1000, 144>}, {transform_indices = @transform_1, window_bounds = array<i64: 2, 1000, 144>}, {pipeline_mode = #tpu.pipeline_mode<synchronous>, transform_indices = @transform_2, window_bounds = array<i64: 384, 128>}, {transform_indices = @transform_3, window_bounds = array<i64: 1000, 128>}]} {
    %get3A = arith.constant 0 : index
    %get3A_0 = arith.constant 0 : index
    %get3A_1 = vector.load %arg3[%get3A, %get3A_0] : memref<384x128xf32, #tpu.memory_space<vmem>>, vector<384x128xf32>
    %get3A_2 = arith.constant 0 : index
    %get3A_3 = arith.constant 0 : index
    %get3A_4 = vector.load %arg1[%get3A_2, %get3A_3] : memref<1000x144xf32, #tpu.memory_space<vmem>>, vector<1000x144xf32>
    %slice3A = vector.extract_strided_slice %get3A_4 {offsets = [0, 0], sizes = [1000, 128], strides = [1, 1]} : vector<1000x144xf32> to vector<1000x128xf32>
    %get3A_5 = arith.constant 0 : index
    %get3A_6 = arith.constant 0 : index
    %get3A_7 = arith.constant 0 : index
    %get3A_8 = vector.load %arg2[%get3A_5, %get3A_6, %get3A_7] : memref<2x1000x144xf32, #tpu.memory_space<vmem>>, vector<1x1000x144xf32>
    %get3A_9 = vector.shape_cast %get3A_8 : vector<1x1000x144xf32> to vector<1000x144xf32>
    %slice3A_10 = vector.extract_strided_slice %get3A_9 {offsets = [0, 0], sizes = [1000, 128], strides = [1, 1]} : vector<1000x144xf32> to vector<1000x128xf32>
    %get3A_11 = arith.constant 1 : index
    %get3A_12 = arith.constant 0 : index
    %get3A_13 = arith.constant 0 : index
    %get3A_14 = vector.load %arg2[%get3A_11, %get3A_12, %get3A_13] : memref<2x1000x144xf32, #tpu.memory_space<vmem>>, vector<1x1000x144xf32>
    %get3A_15 = vector.shape_cast %get3A_14 : vector<1x1000x144xf32> to vector<1000x144xf32>
    %slice3A_16 = vector.extract_strided_slice %get3A_15 {offsets = [0, 0], sizes = [1000, 128], strides = [1, 1]} : vector<1000x144xf32> to vector<1000x128xf32>
    %get3A_17 = arith.constant 0 : index
    %get3A_18 = arith.constant 0 : index
    %get3A_19 = arith.constant 0 : index
    %get3A_20 = vector.load %arg2[%get3A_17, %get3A_18, %get3A_19] : memref<2x1000x144xf32, #tpu.memory_space<vmem>>, vector<1x1000x144xf32>
    %get3A_21 = vector.shape_cast %get3A_20 : vector<1x1000x144xf32> to vector<1000x144xf32>
    %slice3A_22 = vector.extract_strided_slice %get3A_21 {offsets = [0, 128], sizes = [1000, 1], strides = [1, 1]} : vector<1000x144xf32> to vector<1000x1xf32>
    %max3A = arith.constant 1.000000e+00 : f32
    %max3A_23 = vector.broadcast %max3A : f32 to vector<1000x1xf32>
    %max3A_24 = arith.maximumf %slice3A_22, %max3A_23 : vector<1000x1xf32>
    %get3A_25 = arith.constant 1 : index
    %get3A_26 = arith.constant 0 : index
    %get3A_27 = arith.constant 0 : index
    %get3A_28 = vector.load %arg2[%get3A_25, %get3A_26, %get3A_27] : memref<2x1000x144xf32, #tpu.memory_space<vmem>>, vector<1x1000x144xf32>
    %get3A_29 = vector.shape_cast %get3A_28 : vector<1x1000x144xf32> to vector<1000x144xf32>
    %slice3A_30 = vector.extract_strided_slice %get3A_29 {offsets = [0, 128], sizes = [1000, 1], strides = [1, 1]} : vector<1000x144xf32> to vector<1000x1xf32>
    %max3A_31 = arith.constant 1.000000e+00 : f32
    %max3A_32 = vector.broadcast %max3A_31 : f32 to vector<1000x1xf32>
    %max3A_33 = arith.maximumf %slice3A_30, %max3A_32 : vector<1000x1xf32>
    %slice3A_34 = vector.extract_strided_slice %get3A_1 {offsets = [0, 0], sizes = [128, 128], strides = [1, 1]} : vector<384x128xf32> to vector<128x128xf32>
    %dot_general3A = arith.constant dense<0.000000e+00> : vector<1000x128xf32>
    %dot_general3A_35 = tpu.matmul %slice3A, %slice3A_34, %dot_general3A {dimension_numbers = #tpu.dot_dimension_numbers<[1], [0], [0], [1], [0, 0, 1, 1], [], []>, transpose_lhs_hint = false} : vector<1000x128xf32>, vector<128x128xf32>, vector<1000x128xf32> -> vector<1000x128xf32>
    %div3A = vector.broadcast %max3A_24 : vector<1000x1xf32> to vector<1000x128xf32>
    %div3A_36 = arith.divf %slice3A_10, %div3A : vector<1000x128xf32>
    %slice3A_37 = vector.extract_strided_slice %get3A_1 {offsets = [128, 0], sizes = [128, 128], strides = [1, 1]} : vector<384x128xf32> to vector<128x128xf32>
    %dot_general3A_38 = arith.constant dense<0.000000e+00> : vector<1000x128xf32>
    %dot_general3A_39 = tpu.matmul %div3A_36, %slice3A_37, %dot_general3A_38 {dimension_numbers = #tpu.dot_dimension_numbers<[1], [0], [0], [1], [0, 0, 1, 1], [], []>, transpose_lhs_hint = false} : vector<1000x128xf32>, vector<128x128xf32>, vector<1000x128xf32> -> vector<1000x128xf32>
    %add3A = arith.addf %dot_general3A_35, %dot_general3A_39 : vector<1000x128xf32>
    %div3A_40 = vector.broadcast %max3A_33 : vector<1000x1xf32> to vector<1000x128xf32>
    %div3A_41 = arith.divf %slice3A_16, %div3A_40 : vector<1000x128xf32>
    %slice3A_42 = vector.extract_strided_slice %get3A_1 {offsets = [256, 0], sizes = [128, 128], strides = [1, 1]} : vector<384x128xf32> to vector<128x128xf32>
    %dot_general3A_43 = arith.constant dense<0.000000e+00> : vector<1000x128xf32>
    %dot_general3A_44 = tpu.matmul %div3A_41, %slice3A_42, %dot_general3A_43 {dimension_numbers = #tpu.dot_dimension_numbers<[1], [0], [0], [1], [0, 0, 1, 1], [], []>, transpose_lhs_hint = false} : vector<1000x128xf32>, vector<128x128xf32>, vector<1000x128xf32> -> vector<1000x128xf32>
    %add3A_45 = arith.addf %add3A, %dot_general3A_44 : vector<1000x128xf32>
    %swap3A = arith.constant 0 : index
    %swap3A_46 = arith.constant 0 : index
    %swap3A_47 = vector.load %arg4[%swap3A, %swap3A_46] : memref<1000x128xf32, #tpu.memory_space<vmem>>, vector<1000x128xf32>
    tpu.vector_store %arg4[%swap3A, %swap3A_46], %add3A_45 {strides = array<i32>} : memref<1000x128xf32, #tpu.memory_space<vmem>>, vector<1000x128xf32>,
    return
  }
  func.func @transform_0(%arg0: i32) -> (i32, i32) {
    %c0_i32 = arith.constant 0 : i32
    %c0_i32_0 = arith.constant 0 : i32
    return %arg0, %c0_i32 : i32, i32
  }
  func.func @transform_1(%arg0: i32) -> (i32, i32, i32) {
    %c0_i32 = arith.constant 0 : i32
    %c0_i32_0 = arith.constant 0 : i32
    %c0_i32_1 = arith.constant 0 : i32
    return %c0_i32, %arg0, %c0_i32_0 : i32, i32, i32
  }
  func.func @transform_2(%arg0: i32) -> (i32, i32) {
    %c0_i32 = arith.constant 0 : i32
    %c0_i32_0 = arith.constant 0 : i32
    %c0_i32_1 = arith.constant 0 : i32
    return %c0_i32, %c0_i32_0 : i32, i32
  }
  func.func @transform_3(%arg0: i32) -> (i32, i32) {
    %c0_i32 = arith.constant 0 : i32
    %c0_i32_0 = arith.constant 0 : i32
    return %arg0, %c0_i32 : i32, i32
  }
}

</mosaic_0001>

<sc_bundles>
// kernel: kernel.4.cloned.1.call-start
scs
__scs_entry_jumppad:
0x0: {  	(pc) =	sbr.rel $0x88, $3  }
0x1: {  	(tag) =	ssettag $0x0;
	lr =	simm.s32 $0x1  }
0x2: {  	[smem:$0x3F9E] =	sst lr;
	_ =	strace $0xD0000000  }
0x3: {  	_ = 	snop  }
0x4: {  	_ = 	snop  }
0x5: {  	_ = 	snop  }
0x6: {  	_ = 	snop  }
0x7: {  	_ = 	snop  }
__scs_overlays_trampoline_lowered:
0x8: {  	[smem:$0x3FAD] =	sst s0  }
0x9: {  	[smem:$0x3FAE] =	sst s1  }
0xa: {  	[smem:$0x3FAF] =	sst s2  }
0xb: {  	[smem:$0x3FB0] =	sst s3  }
0xc: {  	[smem:$0x3FB1] =	sst s4  }
0xd: {  	[smem:$0x3FB2] =	sst s5  }
0xe: {  	[smem:$0x3FB3] =	sst s6  }
0xf: {  	[smem:$0x3FB4] =	sst s7  }
0x10: {  	[smem:$0x3FB5] =	sst s8  }
0x11: {  	[smem:$0x3FB6] =	sst s9;
	s0 =	simm.s32 @!p0 $0x0  }
0x12: {  	s1 =	sld [smem:$0x3F9C];
	s0 =	simm.s32 @p0 $0x1  }
0x13: {  	[smem:$0x3FB7] =	sst s0;
	s0 =	simm.s32 @!p1 $0x0  }
0x14: {  	s2 =	sld [smem:$0x3F9B];
	s0 =	simm.s32 @p1 $0x1  }
0x15: {  	[smem:$0x3FB8] =	sst s0;
	s0 =	simm.s32 @!p2 $0x0  }
0x16: {  	s3 =	sld [smem:$0x3FDB];
	s0 =	simm.s32 @p2 $0x1  }
0x17: {  	s4 =	simm.s32 $0x1BF5;
	[smem:$0x3FBA] =	sst s0  }
0x18: {  	s0 =	sld [smem:$0x3F9D];
	_ =	swait.ge [sflag:s4], $0x0  }
0x19: {  	s7 =	sld [smem:$0x3F9E]  }
0x1a: {  	s8 =	sadd.s32 $0xFFFFE003, lr  }
0x1b: {  	s9 =	sadd.s32 $0xFFFFFEF7, lr;
	s5 =	simm.s32 $0xFFFFFFFF;
	p2 =	slt.u32 s8, $0xFFFFF086  }
0x1c: {  	p1 =	slt.u32 s9, $0xF7A;
	s5 =	simm.s32 @!p2 $0x0  }
0x1d: {  	s5 =	simm.s32 @p1 $0x1;
	p0 =	seq.s32 s7, s2  }
0x1e: {  	s7 =	smul.u32 @!p0 $0xF7A, s2;
	p2 =	seq.s32 @!p0 s5, $0x0  }
0x1f: {  	s9 =	smul.u32 $0xF7A, s1;
	s8 =	simm.s32 @!p0 $0x1BF5;
	p2 =	por !p2, p0  }
0x20: {  	[sflag:s8] =	ssyncset.s32 @!p0 $0xFFFFF086;
	s6 =	sadd.s32 @!p0 s3, s7;
	s7 =	simm.s32 @!p0 $0x108  }
0x21: {  	s3 =	sadd.s32 s3, s9;
	s6 =	sadd.s32 @!p0 $0x88, s6;
	s7 =	simm.s32 @p2 $0x1082  }
0x22: {  	[simem:s7], [sflag:s8] =	dma.local @!p0 [hbm:s6], $0xF7A  }
0x23: {  	s9 =	sor.u32 $0xD0000000, s2;
	s6 =	simm.s32 $0x108;
	_ =	swait.ge @!p0 [sflag:s8], $0x0  }
0x24: {  	s3 =	sadd.s32 $0x88, s3;
	s6 =	simm.s32 @!p1 $0x1082;
	[sflag:s4] =	ssyncset.s32 $0xFFFFF086  }
0x25: {  	[simem:s6], [sflag:s4] =	dma.local [hbm:s3], $0xF7A  }
0x26: {  	[smem:$0x3F9E] =	sst s1;
	(tag) =	ssettag s2;
	_ =	strace s9  }
0x27: {  	s1 =	sld [smem:$0x3FAE]  }
0x28: {  	s2 =	sld [smem:$0x3FAF]  }
0x29: {  	s4 =	sld [smem:$0x3FB1]  }
0x2a: {  	p0 =	seq.s32 s5, $0x0;
	s5 =	sld [smem:$0x3FB2]  }
0x2b: {  	s6 =	sld [smem:$0x3FB3]  }
0x2c: {  	s7 =	sld [smem:$0x3FB4]  }
0x2d: {  	s3 =	simm.s32 $0x108;
	s8 =	sld [smem:$0x3FB5]  }
0x2e: {  	s3 =	simm.s32 @!p0 $0x1082;
	s9 =	sld [smem:$0x3FB6]  }
0x2f: {  	lr =	sadd.s32 s0, s3;
	s0 =	sld [smem:$0x3FAD]  }
0x30: {  	s3 =	sld [smem:$0x3FB0]  }
0x31: {  	[smem:$0x3FB9] =	sst s10  }
0x32: {  	s10 =	sld [smem:$0x3FB7];
	_ =	sdelay $0x3  }
0x33: {  	p0 =	seq.s32 s10, $0x1;
	s10 =	sld [smem:$0x3FB9];
	_ =	sdelay $0x3  }
0x34: {  	[smem:$0x3FB9] =	sst s10  }
0x35: {  	s10 =	sld [smem:$0x3FB8];
	_ =	sdelay $0x3  }
0x36: {  	p1 =	seq.s32 s10, $0x1;
	s10 =	sld [smem:$0x3FB9];
	_ =	sdelay $0x3  }
0x37: {  	[smem:$0x3FB9] =	sst s10  }
0x38: {  	s10 =	sld [smem:$0x3FBA]  }
0x39: {  	_ = 	snop;
	(pc) =	sbr.ind lr, $3  }
0x3a: {  	_ = 	snop  }
0x3b: {  	_ = 	snop  }
0x3c: {  	p2 =	seq.s32 s10, $0x1;
	s10 =	sld [smem:$0x3FB9]  }
0x3d: {  	_ =	shalt  }
0x3e: {  	_ =	shalt  }
0x3f: {  	_ =	shalt  }
0x40: {  	_ =	shalt  }
0x41: {  	_ =	shalt  }
0x42: {  	_ =	shalt  }
0x43: {  	_ =	shalt  }
0x44: {  	_ =	shalt  }
0x45: {  	_ =	shalt  }
0x46: {  	_ =	shalt  }
0x47: {  	_ =	shalt  }
0x48: {  	_ =	shalt  }
0x49: {  	_ =	shalt  }
0x4a: {  	_ =	shalt  }
0x4b: {  	_ =	shalt  }
0x4c: {  	_ =	shalt  }
0x4d: {  	_ =	shalt  }
0x4e: {  	_ =	shalt  }
0x4f: {  	_ =	shalt  }
0x50: {  	_ =	shalt  }
0x51: {  	_ =	shalt  }
0x52: {  	_ =	shalt  }
0x53: {  	_ =	shalt  }
0x54: {  	_ =	shalt  }
0x55: {  	_ =	shalt  }
0x56: {  	_ =	shalt  }
0x57: {  	_ =	shalt  }
0x58: {  	_ =	shalt  }
0x59: {  	_ =	shalt  }
0x5a: {  	_ =	shalt  }
0x5b: {  	_ =	shalt  }
0x5c: {  	_ =	shalt  }
0x5d: {  	_ =	shalt  }
0x5e: {  	_ =	shalt  }
0x5f: {  	_ =	shalt  }
0x60: {  	_ =	shalt  }
0x61: {  	_ =	shalt  }
0x62: {  	_ =	shalt  }
0x63: {  	_ =	shalt  }
0x64: {  	_ =	shalt  }
0x65: {  	_ =	shalt  }
0x66: {  	_ =	shalt  }
0x67: {  	_ =	shalt  }
0x68: {  	_ =	shalt  }
0x69: {  	_ =	shalt  }
0x6a: {  	_ =	shalt  }
0x6b: {  	_ =	shalt  }
0x6c: {  	_ =	shalt  }
0x6d: {  	_ =	shalt  }
0x6e: {  	_ =	shalt  }
0x6f: {  	_ =	shalt  }
0x70: {  	_ =	shalt  }
0x71: {  	_ =	shalt  }
0x72: {  	_ =	shalt  }
0x73: {  	_ =	shalt  }
0x74: {  	_ =	shalt  }
0x75: {  	_ =	shalt  }
0x76: {  	_ =	shalt  }
0x77: {  	_ =	shalt  }
0x78: {  	_ =	shalt  }
0x79: {  	_ =	shalt  }
0x7a: {  	_ =	shalt  }
0x7b: {  	_ =	shalt  }
0x7c: {  	_ =	shalt  }
0x7d: {  	_ =	shalt  }
0x7e: {  	_ =	shalt  }
0x7f: {  	_ =	shalt  }
0x80: {  	_ =	shalt  }
0x81: {  	_ =	shalt  }
0x82: {  	_ =	shalt  }
0x83: {  	_ =	shalt  }
0x84: {  	_ =	shalt  }
0x85: {  	_ =	shalt  }
0x86: {  	_ =	shalt  }
0x87: {  	_ =	shalt  }
.Lfunc_end0:
.L_simem_size_0:
called_computation_lowered:
.L_overlay_start_0:
0x88: {  	s2 =	sld [smem:$0x3FD9]  }
0x89: {  	s3 =	sld [smem:$0x3FFE];
	_ =	sdelay $0x1  }
0x8a: {  	s1 =	srdreg.scid  }
0x8b: {  	s0 =	sand.u32 $0x1, s1  }
0x8c: {  	s17 =	sshll.u32 s0, $0xA;
	s2 =	sadd.s32 s3, s2  }
0x8d: {  	s2 =	sadd.s32 s2, s17  }
0x8e: {  	[smem:$0x3FC5] =	sst s2  }
0x8f: {  	_ = 	snop  }
0x90: {  	s2 =	sld [smem:$0x3FD0];
	(tm) =	ssettm $0x1  }
0x91: {  	s18 =	sld [smem:$0x3FFB];
	_ =	sdelay $0x3  }
0x92: {  	_ =	strace s18  }
0x93: {  	s3 =	sld [smem:$0x3FFC];
	_ =	sdelay $0x3  }
0x94: {  	_ =	strace s3  }
0x95: {  	s3 =	sld [smem:$0x3FFD];
	_ =	sdelay $0x3  }
0x96: {  	_ =	strace s3  }
0x97: {  	_ =	strace $0x8FFFFFFF  }
0x98: {  	s19 =	sld [smem:$0x3FDB];
	_ =	sdelay $0x1  }
0x99: {  	s4 =	simm.s32 $_scs_section_size  }
0x9a: {  	s5 =	simm.s32 $_size__tile_overlayer_lowered;
	s6 =	simm.s32 $_tile_overlayer_lowered  }
0x9b: {  	s22 =	simm.s32 $0x1BFF;
	s21 =	sshll.u32 s6, $0x1;
	s3 =	sadd.s32 s4, s19  }
0x9c: {  	s7 =	simm.s32 $0x0;
	s20 =	sshll.u32 s5, $0x1;
	s5 =	sadd.s32 s21, s3  }
0x9d: {  	[timem:s7], [sflag:s22] =	dma.local [hbm:s5], s20  }
0x9e: {  	_ =	swait.ge [sflag:s22], s20  }
0x9f: {  	s4 =	ssub.s32 $0x0, s20;
	[sflag:s22] =	ssyncset.done $0x0  }
0xa0: {  	[sflag:s22] =	ssyncadd.s32 s4;
	_ =	sdelay $0x1  }
0xa1: {  	s23 =	simm.s32 $0x1B8B  }
0xa2: {  	_ =	swait.ge [sflag:s23], $0x1  }
0xa3: {  	[sflag:s23] =	ssyncset.done $0x0  }
0xa4: {  	s25 =	simm.s32 $0x1B8E;
	s24 =	sld [smem:$0x3FFE];
	[sflag:s23] =	ssyncadd.s32 $0xFFFFFFFF  }
0xa5: {  	s26 =	simm.s32 $execute0_lowered;
	[smem:$0x3FD2] =	sst s25  }
0xa6: {  	s5 =	sshll.u32 s26, $0x1;
	_ =	strace $0x80000046;
	[dreg:$0x1] =	wrdreg $0xFFFFFFFF  }
0xa7: {  	s28 =	simm.s32 $_size_execute0_lowered;
	s3 =	sadd.s32 s3, s5;
	[dreg:$0x0] =	wrdreg $0x0  }
0xa8: {  	s5 =	sshll.u32 s28, $0x1;
	[dreg:$0x2] =	wrdreg s3  }
0xa9: {  	[dreg:$0x3] =	wrdreg s5  }
0xaa: {  	[dreg:$0x4] =	wrdreg $0xC0  }
0xab: {  	_ =	task [dreg:s7], $0x5FFFF  }
0xac: {  	[dreg:$0x1] =	wrdreg $0xFFFFFFFF  }
0xad: {  	[dreg:$0x0] =	wrdreg $0x60  }
0xae: {  	[dreg:$0x2] =	wrdreg s24  }
0xaf: {  	[dreg:$0x3] =	wrdreg s2  }
0xb0: {  	[dreg:$0x4] =	wrdreg $0x0  }
0xb1: {  	[dreg:$0x5] =	wrdreg $0x9  }
0xb2: {  	_ =	task.clear_ibuf [dreg:s7], $0x6FFFF;
	_ =	strace $0x90000046  }
0xb3: {  	s29 =	simm.s32 $0x9;
	_ =	strace $0x80000048  }
0xb4: {  	_ =	swait.ge [sflag:s29], $0x1  }
0xb5: {  	[sflag:s29] =	ssyncadd.s32 $0xFFFFFFFF  }
0xb6: {  	_ =	strace $0x90000048  }
0xb7: {  	_ =	sfence  }
0xb8: {  	s30 =	sld [smem:$0x0];
	_ =	sdelay $0x2  }
0xb9: {  	s31 =	sshll.u32 s1, $0xD;
	s1 =	sshrl.u32 s1, $0x2  }
0xba: {  	s3 =	sand.u32 $0x4000, s31;
	s1 =	sadd.s32 s1, s30  }
0xbb: {  	s0 =	sor.u32 s3, s0;
	s1 =	sshll.u32 s1, $0x11  }
0xbc: {  	s0 =	sor.u32 s1, s0  }
0xbd: {  	s0 =	sadd.s32 $0x8F2B, s0  }
0xbe: {  	[sflag:s0] =	ssyncadd.remote.s32 $0x1  }
0xbf: {  	_ =	sfence.sel $0xFFFF  }
0xc0: {  	[dreg:$0x0] =	wrdreg $0xFFFFFFFF;
	(pc) =	sbr.abs _section_cstart, $3  }
0xc1: {  	[dreg:$0x1] =	wrdreg $0xFFFFFFFF  }
0xc2: {  	_ =	task.clear_ibuf [dreg:s7], $0x2FFFF;
	_ =	strace $0x9FFFFFFF  }
0xc3: {  	(tm) =	ssettm $0x7FFFFFFF  }
tec
execute0_lowered:
.L_overlay_start_1:
0x0: {  	(tag) =	ssettag $0x1  }
0x1: {  	s0 =	rddreg [dreg:$0x0]  }
0x2: {  	s1 =	rddreg [dreg:$0x1]  }
0x3: {  	s2 =	rddreg [dreg:$0x2];
	s4 =	srdreg.scid;
	s3 =	simm.s32 $0x0  }
0x4: {  	s11 =	stileid.u32;
	s15 =	simm.s32 $0x16870;
	s17 =	simm.s32 $0x168E0  }
0x5: {  	s19 =	simm.s32 $0x17130;
	s20 =	simm.s32 $0x16950;
	s22 =	simm.s32 $0x171A0  }
0x6: {  	s23 =	simm.s32 $0x169C0;
	s25 =	simm.s32 $0x17210;
	[smem:$0x7FF] =	sst s3  }
0x7: {  	s28 =	simm.s32 $0x16DB0;
	_ =	strace $0x80000047;
	[dreg:$0x6] =	wrdreg s15  }
0x8: {  	s29 =	simm.s32 $0x17600;
	s30 =	simm.s32 $0x16E20;
	[dreg:$0x7] =	wrdreg s17  }
0x9: {  	s31 =	simm.s32 $0x17670;
	s6 =	smul.u32 $0x5A000, s11;
	[dreg:$0x8] =	wrdreg s19  }
0xa: {  	s5 =	sand.u32 $0x1, s4;
	s10 =	smul.u32 $0x9D8, s11;
	[dreg:$0x9] =	wrdreg s20  }
0xb: {  	s11 =	smul.u32 $0x280, s11;
	s4 =	sxor.u32 $0x1, s5;
	[dreg:$0xa] =	wrdreg s22  }
0xc: {  	s7 =	ssub.s32 $0x2, s5;
	s26 =	smul.u32 $0x9D80, s5;
	[dreg:$0xb] =	wrdreg s23  }
0xd: {  	s5 =	smul.u32 $0x2800, s5;
	[dreg:$0xc] =	wrdreg s25;
	s19 =	simm.s32 $0x16BF0  }
0xe: {  	s22 =	simm.s32 $0x16C60;
	s23 =	simm.s32 $0x174B0;
	[dreg:$0x15] =	wrdreg s19  }
0xf: {  	s25 =	simm.s32 $0x17520;
	s8 =	smul.u32 $0x9D80, s4;
	[dreg:$0x17] =	wrdreg s22  }
0x10: {  	s4 =	sadd.s32 $0x400, s0;
	s6 =	sshrl.u32 s6, $0x2;
	[dreg:$0x18] =	wrdreg s23  }
0x11: {  	s9 =	sshrl.u32 s7, $0x1;
	[dreg:$0x1a] =	wrdreg s25;
	s12 =	sadd.s32 s6, s2  }
0x12: {  	s7 =	ssub.s32 s7, s9;
	s9 =	simm.s32 $0x17280;
	[dreg:$0x1c] =	wrdreg s12  }
0x13: {  	s5 =	sadd.s32 s11, s5;
	s11 =	simm.s32 $0x172F0;
	[dreg:$0xe] =	wrdreg s9  }
0x14: {  	s0 =	sadd.s32 $0x2D400, s0;
	s14 =	sadd.s32 $0x7E00, s12;
	[dreg:$0x10] =	wrdreg s11  }
0x15: {  	s19 =	simm.s32 $0x3;
	s16 =	sadd.s32 $0xBD00, s12;
	[dreg:$0x1e] =	wrdreg s14  }
0x16: {  	s22 =	simm.s32 $0x70;
	s18 =	sadd.s32 $0xFC00, s12;
	[dreg:$0x1f] =	wrdreg s16  }
0x17: {  	s8 =	sadd.s32 s8, s1;
	s21 =	sadd.s32 $0x13B00, s12;
	[smem:$0x7F5] =	sst s18  }
0x18: {  	s1 =	sadd.s32 s26, s1;
	s26 =	simm.s32 $0x16A30;
	[smem:$0x7F6] =	sst s21  }
0x19: {  	s23 =	simm.s32 $0x1B880;
	s20 =	smax.u32 s7, $0x1;
	[dreg:$0xd] =	wrdreg s26  }
0x1a: {  	s25 =	simm.s32 $0x2;
	s13 =	sadd.s32 s10, s8;
	[smem:$0x7FD] =	sst s20  }
0x1b: {  	s24 =	smul.u32 $0x12, s5;
	s1 =	sadd.s32 s10, s1;
	[dreg:$0x4] =	wrdreg s13  }
0x1c: {  	s5 =	smul.u32 $0x90, s5;
	s10 =	simm.s32 $0x16AA0;
	[dreg:$0x5] =	wrdreg s1  }
0x1d: {  	s8 =	sadd.s32 $0x3F00, s12;
	s12 =	simm.s32 $0x16B10;
	[dreg:$0xf] =	wrdreg s10  }
0x1e: {  	s11 =	simm.s32 $0x16F00;
	s14 =	simm.s32 $0x17360;
	[dreg:$0x11] =	wrdreg s12  }
0x1f: {  	s7 =	simm.s32 $0x17910;
	s16 =	simm.s32 $0x16B80;
	[dreg:$0x12] =	wrdreg s14  }
0x20: {  	s9 =	simm.s32 $0x0;
	s18 =	simm.s32 $0x173D0;
	[dreg:$0x13] =	wrdreg s16  }
0x21: {  	s21 =	simm.s32 $0x17440;
	s20 =	simm.s32 $0x16800;
	[dreg:$0x14] =	wrdreg s18  }
0x22: {  	s26 =	simm.s32 $0x16D40;
	s6 =	sadd.s32 s0, s24;
	[dreg:$0x16] =	wrdreg s21  }
0x23: {  	s5 =	sshrl.u32 s5, $0x3;
	s18 =	simm.s32 $0x17980;
	[dreg:$0x1b] =	wrdreg s26  }
0x24: {  	s24 =	simm.s32 $0x16CD0;
	s21 =	simm.s32 $0x170C0;
	[dreg:$0x1d] =	wrdreg s8  }
0x25: {  	s26 =	simm.s32 $0x17590;
	[smem:$0x7F7] =	sst s6;
	s0 =	sadd.s32 s0, s5  }
0x26: {  	s1 =	simm.s32 $0x176E0;
	[dreg:$0x19] =	wrdreg s24;
	s5 =	sadd.s32 $0x7E0, s0  }
0x27: {  	s12 =	simm.s32 $0x17750;
	s13 =	sadd.s32 $0xFC0, s0;
	[smem:$0x7F8] =	sst s5  }
0x28: {  	s14 =	simm.s32 $0x177C0;
	s15 =	sadd.s32 $0x17A0, s0;
	[smem:$0x7F9] =	sst s13  }
0x29: {  	s16 =	simm.s32 $0x17830;
	s17 =	sadd.s32 $0x1F80, s0;
	[smem:$0x7FA] =	sst s15  }
0x2a: {  	s24 =	simm.s32 $0x1;
	s0 =	sadd.s32 $0x2760, s0;
	[smem:$0x7FB] =	sst s17  }
0x2b: {  	s6 =	simm.s32 $0x178A0;
	[smem:$0x7FC] =	sst s0;
	s0 =	simm.s32 $0x16E90  }
0x2c: {  	v0 =	vimm.f32 $0.0e+00;
	s13 =	simm.s32 $0x16F70;
	s15 =	simm.s32 $0x16FE0;
	s17 =	simm.s32 $0x17050  }
.LBB2_1:
0x2d: {  	[smem:$0x7F4] =	sst s9;
	s9 =	simm.s32 $0x80;
	s10 =	simm.s32 $0x440  }
.LBB2_2:
0x2e: {  	p0 =	sne.s32 s10, $0xFBC0;
	[tilespmem:s9+$0x17980] =	vst v0  }
0x2f: {  	[tilespmem:s9+$0x17900] =	vst v0  }
0x30: {  	[tilespmem:s9+$0x17910] =	vst v0  }
0x31: {  	[tilespmem:s9+$0x17920] =	vst v0  }
.Ltmp0:
0x32: {  	[tilespmem:s9+$0x17930] =	vst v0;
	(pc) =	sbr.rel @p0 .LBB2_2-.Ltmp0, $4  }
0x33: {  	[tilespmem:s9+$0x17940] =	vst v0  }
0x34: {  	[tilespmem:s9+$0x17950] =	vst v0  }
0x35: {  	[tilespmem:s9+$0x17960] =	vst v0  }
0x36: {  	[tilespmem:s9+$0x17970] =	vst v0;
	s9 =	sshra.s32 s10, $0x2;
	s10 =	sadd.s32 $0x240, s10  }
0x37: {  	[tilespmem:s9+$0x17980] =	vst v0  }
0x38: {  	[tilespmem:s9+$0x17900] =	vst v0  }
0x39: {  	[tilespmem:s9+$0x17910] =	vst v0  }
0x3a: {  	[tilespmem:s9+$0x17920] =	vst v0  }
0x3b: {  	[tilespmem:s9+$0x17930] =	vst v0  }
0x3c: {  	[tilespmem:s9+$0x17940] =	vst v0  }
0x3d: {  	[tilespmem:s9+$0x17950] =	vst v0  }
0x3e: {  	[tilespmem:s9+$0x17960] =	vst v0  }
0x3f: {  	[tilespmem:s9+$0x17970] =	vst v0;
	s5 =	rddreg [dreg:$0x1c]  }
0x40: {  	[spmem:s5] =	stream.linear.scatter [tilespmem:s18], [sflag:$0x3], $0x3F00, $0x38;
	[tilespmem:$0x1F780] =	vst v63  }
0x41: {  	_ =	swait.ge [sflag:s19], $0x3F00  }
0x42: {  	[sflag:s19] =	ssyncset.done $0x0  }
0x43: {  	[sflag:s19] =	ssyncadd.s32 $0xFFFFC100  }
0x44: {  	[spmem:s8] =	stream.linear.scatter [tilespmem:s18], [sflag:$0x3], $0x3F00, $0x38;
	[tilespmem:$0x1F780] =	vst v63  }
0x45: {  	_ =	swait.ge [sflag:s19], $0x3F00  }
0x46: {  	[sflag:s19] =	ssyncset.done $0x0  }
0x47: {  	s10 =	rddreg [dreg:$0x1e];
	[sflag:s19] =	ssyncadd.s32 $0xFFFFC100  }
0x48: {  	[spmem:s10] =	stream.linear.scatter [tilespmem:s18], [sflag:$0x3], $0x3F00, $0x38;
	[tilespmem:$0x1F780] =	vst v63  }
0x49: {  	_ =	swait.ge [sflag:s19], $0x3F00  }
0x4a: {  	[sflag:s19] =	ssyncset.done $0x0  }
0x4b: {  	s8 =	rddreg [dreg:$0x1f];
	[sflag:s19] =	ssyncadd.s32 $0xFFFFC100  }
0x4c: {  	[spmem:s8] =	stream.linear.scatter [tilespmem:s18], [sflag:$0x3], $0x3F00, $0x38;
	[tilespmem:$0x1F780] =	vst v63  }
0x4d: {  	_ =	swait.ge [sflag:s19], $0x3F00  }
0x4e: {  	s9 =	sld [smem:$0x7F5]  }
0x4f: {  	[sflag:s19] =	ssyncset.done $0x0  }
0x50: {  	[sflag:s19] =	ssyncadd.s32 $0xFFFFC100  }
0x51: {  	[spmem:s9] =	stream.linear.scatter [tilespmem:s18], [sflag:$0x3], $0x3F00, $0x38;
	[tilespmem:$0x1F780] =	vst v63  }
0x52: {  	_ =	swait.ge [sflag:s19], $0x3F00  }
0x53: {  	s10 =	sld [smem:$0x7F6]  }
0x54: {  	[sflag:s19] =	ssyncset.done $0x0  }
0x55: {  	[sflag:s19] =	ssyncadd.s32 $0xFFFFC100  }
0x56: {  	[spmem:s10] =	stream.linear.scatter [tilespmem:s18], [sflag:$0x3], $0x2D00, $0x38;
	[tilespmem:$0x1F780] =	vst v63  }
0x57: {  	_ =	swait.ge [sflag:s19], $0x2D00  }
0x58: {  	[sflag:s19] =	ssyncset.done $0x0  }
0x59: {  	[sflag:s19] =	ssyncadd.s32 $0xFFFFD300  }
0x5a: {  	[bflag:$0x0] =	sbarrier.arrive $0xFFFF  }
0x5b: {  	s8 =	rddreg [dreg:$0x5]  }
0x5c: {  	s5 =	sadd.s32 $0x0, s8  }
0x5d: {  	[tilespmem:s20], [sflag:$0x3] =	stream.linear.gather [hbm4b:s5+s3], $0x8C0, $0x38;
	[tilespmem:$0x1F780] =	vst v63  }
0x5e: {  	_ =	swait.ge [sflag:s19], $0x8C0  }
0x5f: {  	s9 =	rddreg [dreg:$0x4];
	[sflag:s19] =	ssyncset.done $0x0  }
0x60: {  	[sflag:s19] =	ssyncadd.s32 $0xFFFFF740;
	s5 =	sadd.s32 $0x0, s9  }
0x61: {  	[tilespmem:s21], [sflag:$0x3] =	stream.linear.gather [hbm4b:s5+s3], $0x8C0, $0x38;
	[tilespmem:$0x1F780] =	vst v63  }
0x62: {  	_ =	swait.ge [sflag:s19], $0x8C0  }
0x63: {  	[sflag:s19] =	ssyncset.done $0x0  }
0x64: {  	[sflag:s19] =	ssyncadd.s32 $0xFFFFF740  }
0x65: {  	[tilespmem:s18], [sflag:$0x1] =	stream.indirect.gather [hbm4b:s4+s22], $0x90, s20, s22, $0xb8;
	[tilespmem:$0x1F780] =	vst v63  }
0x66: {  	s10 =	rddreg [dreg:$0x6]  }
0x67: {  	[tilespmem:s23], [sflag:$0x2] =	stream.indirect.gather [hbm4b:s4+s22], $0x90, s10, s22, $0xb8;
	[tilespmem:$0x1F780] =	vst v63  }
0x68: {  	_ =	swait.ge [sflag:s24], $0x3F00  }
0x69: {  	[sflag:s24] =	ssyncset.done $0x0  }
0x6a: {  	[sflag:s24] =	ssyncadd.s32 $0xFFFFC100  }
0x6b: {  	[spmem:s2] =	stream.indirect.scatter.add.f32 [tilespmem:s18], [sflag:$0x3], $0x90, s21, s22, $0xb8;
	[tilespmem:$0x1F780] =	vst v63  }
0x6c: {  	_ =	swait.ge [sflag:s19], $0x3F00  }
0x6d: {  	[sflag:s19] =	ssyncset.done $0x0  }
0x6e: {  	s8 =	rddreg [dreg:$0x7];
	[sflag:s19] =	ssyncadd.s32 $0xFFFFC100  }
0x6f: {  	[tilespmem:s18], [sflag:$0x1] =	stream.indirect.gather [hbm4b:s4+s22], $0x90, s8, s22, $0xb8;
	[tilespmem:$0x1F780] =	vst v63  }
0x70: {  	_ =	swait.ge [sflag:s25], $0x3F00  }
0x71: {  	[sflag:s25] =	ssyncset.done $0x0  }
0x72: {  	s9 =	rddreg [dreg:$0x8];
	[sflag:s25] =	ssyncadd.s32 $0xFFFFC100  }
0x73: {  	[spmem:s2] =	stream.indirect.scatter.add.f32 [tilespmem:s23], [sflag:$0x3], $0x90, s9, s22, $0xb8;
	[tilespmem:$0x1F780] =	vst v63  }
0x74: {  	_ =	swait.ge [sflag:s19], $0x3F00  }
0x75: {  	[sflag:s19] =	ssyncset.done $0x0  }
0x76: {  	s10 =	rddreg [dreg:$0x9];
	[sflag:s19] =	ssyncadd.s32 $0xFFFFC100  }
0x77: {  	[tilespmem:s23], [sflag:$0x2] =	stream.indirect.gather [hbm4b:s4+s22], $0x90, s10, s22, $0xb8;
	[tilespmem:$0x1F780] =	vst v63  }
0x78: {  	_ =	swait.ge [sflag:s24], $0x3F00  }
0x79: {  	[sflag:s24] =	ssyncset.done $0x0  }
0x7a: {  	s8 =	rddreg [dreg:$0xa];
	[sflag:s24] =	ssyncadd.s32 $0xFFFFC100  }
0x7b: {  	[spmem:s2] =	stream.indirect.scatter.add.f32 [tilespmem:s18], [sflag:$0x3], $0x90, s8, s22, $0xb8;
	[tilespmem:$0x1F780] =	vst v63  }
0x7c: {  	_ =	swait.ge [sflag:s19], $0x3F00  }
0x7d: {  	[sflag:s19] =	ssyncset.done $0x0  }
0x7e: {  	s9 =	rddreg [dreg:$0xb];
	[sflag:s19] =	ssyncadd.s32 $0xFFFFC100  }
0x7f: {  	[tilespmem:s18], [sflag:$0x1] =	stream.indirect.gather [hbm4b:s4+s22], $0x90, s9, s22, $0xb8;
	[tilespmem:$0x1F780] =	vst v63  }
0x80: {  	_ =	swait.ge [sflag:s25], $0x3F00  }
0x81: {  	[sflag:s25] =	ssyncset.done $0x0  }
0x82: {  	s10 =	rddreg [dreg:$0xc];
	[sflag:s25] =	ssyncadd.s32 $0xFFFFC100  }
0x83: {  	[spmem:s2] =	stream.indirect.scatter.add.f32 [tilespmem:s23], [sflag:$0x3], $0x90, s10, s22, $0xb8;
	[tilespmem:$0x1F780] =	vst v63  }
0x84: {  	_ =	swait.ge [sflag:s19], $0x3F00  }
0x85: {  	[sflag:s19] =	ssyncset.done $0x0  }
0x86: {  	s8 =	rddreg [dreg:$0xd];
	[sflag:s19] =	ssyncadd.s32 $0xFFFFC100  }
0x87: {  	[tilespmem:s23], [sflag:$0x2] =	stream.indirect.gather [hbm4b:s4+s22], $0x90, s8, s22, $0xb8;
	[tilespmem:$0x1F780] =	vst v63  }
0x88: {  	_ =	swait.ge [sflag:s24], $0x3F00  }
0x89: {  	[sflag:s24] =	ssyncset.done $0x0  }
0x8a: {  	s9 =	rddreg [dreg:$0xe];
	[sflag:s24] =	ssyncadd.s32 $0xFFFFC100  }
0x8b: {  	[spmem:s2] =	stream.indirect.scatter.add.f32 [tilespmem:s18], [sflag:$0x3], $0x90, s9, s22, $0xb8;
	[tilespmem:$0x1F780] =	vst v63  }
0x8c: {  	_ =	swait.ge [sflag:s19], $0x3F00  }
0x8d: {  	[sflag:s19] =	ssyncset.done $0x0  }
0x8e: {  	s10 =	rddreg [dreg:$0xf];
	[sflag:s19] =	ssyncadd.s32 $0xFFFFC100  }
0x8f: {  	[tilespmem:s18], [sflag:$0x1] =	stream.indirect.gather [hbm4b:s4+s22], $0x90, s10, s22, $0xb8;
	[tilespmem:$0x1F780] =	vst v63  }
0x90: {  	_ =	swait.ge [sflag:s25], $0x3F00  }
0x91: {  	[sflag:s25] =	ssyncset.done $0x0  }
0x92: {  	s8 =	rddreg [dreg:$0x10];
	[sflag:s25] =	ssyncadd.s32 $0xFFFFC100  }
0x93: {  	[spmem:s2] =	stream.indirect.scatter.add.f32 [tilespmem:s23], [sflag:$0x3], $0x90, s8, s22, $0xb8;
	[tilespmem:$0x1F780] =	vst v63  }
0x94: {  	_ =	swait.ge [sflag:s19], $0x3F00  }
0x95: {  	[sflag:s19] =	ssyncset.done $0x0  }
0x96: {  	s9 =	rddreg [dreg:$0x11];
	[sflag:s19] =	ssyncadd.s32 $0xFFFFC100  }
0x97: {  	[tilespmem:s23], [sflag:$0x2] =	stream.indirect.gather [hbm4b:s4+s22], $0x90, s9, s22, $0xb8;
	[tilespmem:$0x1F780] =	vst v63  }
0x98: {  	_ =	swait.ge [sflag:s24], $0x3F00  }
0x99: {  	[sflag:s24] =	ssyncset.done $0x0  }
0x9a: {  	s10 =	rddreg [dreg:$0x12];
	[sflag:s24] =	ssyncadd.s32 $0xFFFFC100  }
0x9b: {  	[spmem:s2] =	stream.indirect.scatter.add.f32 [tilespmem:s18], [sflag:$0x3], $0x90, s10, s22, $0xb8;
	[tilespmem:$0x1F780] =	vst v63  }
0x9c: {  	_ =	swait.ge [sflag:s19], $0x3F00  }
0x9d: {  	[sflag:s19] =	ssyncset.done $0x0  }
0x9e: {  	s8 =	rddreg [dreg:$0x13];
	[sflag:s19] =	ssyncadd.s32 $0xFFFFC100  }
0x9f: {  	[tilespmem:s18], [sflag:$0x1] =	stream.indirect.gather [hbm4b:s4+s22], $0x90, s8, s22, $0xb8;
	[tilespmem:$0x1F780] =	vst v63  }
0xa0: {  	_ =	swait.ge [sflag:s25], $0x3F00  }
0xa1: {  	[sflag:s25] =	ssyncset.done $0x0  }
0xa2: {  	s9 =	rddreg [dreg:$0x14];
	[sflag:s25] =	ssyncadd.s32 $0xFFFFC100  }
0xa3: {  	[spmem:s2] =	stream.indirect.scatter.add.f32 [tilespmem:s23], [sflag:$0x3], $0x90, s9, s22, $0xb8;
	[tilespmem:$0x1F780] =	vst v63  }
0xa4: {  	_ =	swait.ge [sflag:s19], $0x3F00  }
0xa5: {  	[sflag:s19] =	ssyncset.done $0x0  }
0xa6: {  	s10 =	rddreg [dreg:$0x15];
	[sflag:s19] =	ssyncadd.s32 $0xFFFFC100  }
0xa7: {  	[tilespmem:s23], [sflag:$0x2] =	stream.indirect.gather [hbm4b:s4+s22], $0x90, s10, s22, $0xb8;
	[tilespmem:$0x1F780] =	vst v63  }
0xa8: {  	_ =	swait.ge [sflag:s24], $0x3F00  }
0xa9: {  	[sflag:s24] =	ssyncset.done $0x0  }
0xaa: {  	s8 =	rddreg [dreg:$0x16];
	[sflag:s24] =	ssyncadd.s32 $0xFFFFC100  }
0xab: {  	[spmem:s2] =	stream.indirect.scatter.add.f32 [tilespmem:s18], [sflag:$0x3], $0x90, s8, s22, $0xb8;
	[tilespmem:$0x1F780] =	vst v63  }
0xac: {  	_ =	swait.ge [sflag:s19], $0x3F00  }
0xad: {  	[sflag:s19] =	ssyncset.done $0x0  }
0xae: {  	s9 =	rddreg [dreg:$0x17];
	[sflag:s19] =	ssyncadd.s32 $0xFFFFC100  }
0xaf: {  	[tilespmem:s18], [sflag:$0x1] =	stream.indirect.gather [hbm4b:s4+s22], $0x90, s9, s22, $0xb8;
	[tilespmem:$0x1F780] =	vst v63  }
0xb0: {  	_ =	swait.ge [sflag:s25], $0x3F00  }
0xb1: {  	[sflag:s25] =	ssyncset.done $0x0  }
0xb2: {  	s10 =	rddreg [dreg:$0x18];
	[sflag:s25] =	ssyncadd.s32 $0xFFFFC100  }
0xb3: {  	[spmem:s2] =	stream.indirect.scatter.add.f32 [tilespmem:s23], [sflag:$0x3], $0x90, s10, s22, $0xb8;
	[tilespmem:$0x1F780] =	vst v63  }
0xb4: {  	_ =	swait.ge [sflag:s19], $0x3F00  }
0xb5: {  	[sflag:s19] =	ssyncset.done $0x0  }
0xb6: {  	s8 =	rddreg [dreg:$0x19];
	[sflag:s19] =	ssyncadd.s32 $0xFFFFC100  }
0xb7: {  	[tilespmem:s23], [sflag:$0x2] =	stream.indirect.gather [hbm4b:s4+s22], $0x90, s8, s22, $0xb8;
	[tilespmem:$0x1F780] =	vst v63  }
0xb8: {  	_ =	swait.ge [sflag:s24], $0x3F00  }
0xb9: {  	[sflag:s24] =	ssyncset.done $0x0  }
0xba: {  	s9 =	rddreg [dreg:$0x1a];
	[sflag:s24] =	ssyncadd.s32 $0xFFFFC100  }
0xbb: {  	[spmem:s2] =	stream.indirect.scatter.add.f32 [tilespmem:s18], [sflag:$0x3], $0x90, s9, s22, $0xb8;
	[tilespmem:$0x1F780] =	vst v63  }
0xbc: {  	_ =	swait.ge [sflag:s19], $0x3F00  }
0xbd: {  	[sflag:s19] =	ssyncset.done $0x0  }
0xbe: {  	s10 =	rddreg [dreg:$0x1b];
	[sflag:s19] =	ssyncadd.s32 $0xFFFFC100  }
0xbf: {  	[tilespmem:s18], [sflag:$0x1] =	stream.indirect.gather [hbm4b:s4+s22], $0x90, s10, s22, $0xb8;
	[tilespmem:$0x1F780] =	vst v63  }
0xc0: {  	_ =	swait.ge [sflag:s25], $0x3F00  }
0xc1: {  	[sflag:s25] =	ssyncset.done $0x0  }
0xc2: {  	[sflag:s25] =	ssyncadd.s32 $0xFFFFC100  }
0xc3: {  	[spmem:s2] =	stream.indirect.scatter.add.f32 [tilespmem:s23], [sflag:$0x3], $0x90, s26, s22, $0xb8;
	[tilespmem:$0x1F780] =	vst v63  }
0xc4: {  	_ =	swait.ge [sflag:s19], $0x3F00  }
0xc5: {  	[sflag:s19] =	ssyncset.done $0x0  }
0xc6: {  	[sflag:s19] =	ssyncadd.s32 $0xFFFFC100  }
0xc7: {  	[tilespmem:s23], [sflag:$0x2] =	stream.indirect.gather [hbm4b:s4+s22], $0x90, s28, s22, $0xb8;
	[tilespmem:$0x1F780] =	vst v63  }
0xc8: {  	_ =	swait.ge [sflag:s24], $0x3F00  }
0xc9: {  	[sflag:s24] =	ssyncset.done $0x0  }
0xca: {  	[sflag:s24] =	ssyncadd.s32 $0xFFFFC100  }
0xcb: {  	[spmem:s2] =	stream.indirect.scatter.add.f32 [tilespmem:s18], [sflag:$0x3], $0x90, s29, s22, $0xb8;
	[tilespmem:$0x1F780] =	vst v63  }
0xcc: {  	_ =	swait.ge [sflag:s19], $0x3F00  }
0xcd: {  	[sflag:s19] =	ssyncset.done $0x0  }
0xce: {  	[sflag:s19] =	ssyncadd.s32 $0xFFFFC100  }
0xcf: {  	[tilespmem:s18], [sflag:$0x1] =	stream.indirect.gather [hbm4b:s4+s22], $0x90, s30, s22, $0xb8;
	[tilespmem:$0x1F780] =	vst v63  }
0xd0: {  	_ =	swait.ge [sflag:s25], $0x3F00  }
0xd1: {  	[sflag:s25] =	ssyncset.done $0x0  }
0xd2: {  	[sflag:s25] =	ssyncadd.s32 $0xFFFFC100  }
0xd3: {  	[spmem:s2] =	stream.indirect.scatter.add.f32 [tilespmem:s23], [sflag:$0x3], $0x90, s31, s22, $0xb8;
	[tilespmem:$0x1F780] =	vst v63  }
0xd4: {  	_ =	swait.ge [sflag:s19], $0x3F00  }
0xd5: {  	[sflag:s19] =	ssyncset.done $0x0  }
0xd6: {  	[sflag:s19] =	ssyncadd.s32 $0xFFFFC100  }
0xd7: {  	[tilespmem:s23], [sflag:$0x2] =	stream.indirect.gather [hbm4b:s4+s22], $0x90, s0, s22, $0xb8;
	[tilespmem:$0x1F780] =	vst v63  }
0xd8: {  	_ =	swait.ge [sflag:s24], $0x3F00  }
0xd9: {  	[sflag:s24] =	ssyncset.done $0x0  }
0xda: {  	[sflag:s24] =	ssyncadd.s32 $0xFFFFC100  }
0xdb: {  	[spmem:s2] =	stream.indirect.scatter.add.f32 [tilespmem:s18], [sflag:$0x3], $0x90, s1, s22, $0xb8;
	[tilespmem:$0x1F780] =	vst v63  }
0xdc: {  	_ =	swait.ge [sflag:s19], $0x3F00  }
0xdd: {  	[sflag:s19] =	ssyncset.done $0x0  }
0xde: {  	[sflag:s19] =	ssyncadd.s32 $0xFFFFC100  }
0xdf: {  	[tilespmem:s18], [sflag:$0x1] =	stream.indirect.gather [hbm4b:s4+s22], $0x90, s11, s22, $0xb8;
	[tilespmem:$0x1F780] =	vst v63  }
0xe0: {  	_ =	swait.ge [sflag:s25], $0x3F00  }
0xe1: {  	[sflag:s25] =	ssyncset.done $0x0  }
0xe2: {  	[sflag:s25] =	ssyncadd.s32 $0xFFFFC100  }
0xe3: {  	[spmem:s2] =	stream.indirect.scatter.add.f32 [tilespmem:s23], [sflag:$0x3], $0x90, s12, s22, $0xb8;
	[tilespmem:$0x1F780] =	vst v63  }
0xe4: {  	_ =	swait.ge [sflag:s19], $0x3F00  }
0xe5: {  	[sflag:s19] =	ssyncset.done $0x0  }
0xe6: {  	[sflag:s19] =	ssyncadd.s32 $0xFFFFC100  }
0xe7: {  	[tilespmem:s23], [sflag:$0x2] =	stream.indirect.gather [hbm4b:s4+s22], $0x90, s13, s22, $0xb8;
	[tilespmem:$0x1F780] =	vst v63  }
0xe8: {  	_ =	swait.ge [sflag:s24], $0x3F00  }
0xe9: {  	[sflag:s24] =	ssyncset.done $0x0  }
0xea: {  	[sflag:s24] =	ssyncadd.s32 $0xFFFFC100  }
0xeb: {  	[spmem:s2] =	stream.indirect.scatter.add.f32 [tilespmem:s18], [sflag:$0x3], $0x90, s14, s22, $0xb8;
	[tilespmem:$0x1F780] =	vst v63  }
0xec: {  	_ =	swait.ge [sflag:s19], $0x3F00  }
0xed: {  	[sflag:s19] =	ssyncset.done $0x0  }
0xee: {  	[sflag:s19] =	ssyncadd.s32 $0xFFFFC100  }
0xef: {  	[tilespmem:s18], [sflag:$0x1] =	stream.indirect.gather [hbm4b:s4+s22], $0x90, s15, s22, $0xb8;
	[tilespmem:$0x1F780] =	vst v63  }
0xf0: {  	_ =	swait.ge [sflag:s25], $0x3F00  }
0xf1: {  	[sflag:s25] =	ssyncset.done $0x0  }
0xf2: {  	[sflag:s25] =	ssyncadd.s32 $0xFFFFC100  }
0xf3: {  	[spmem:s2] =	stream.indirect.scatter.add.f32 [tilespmem:s23], [sflag:$0x3], $0x90, s16, s22, $0xb8;
	[tilespmem:$0x1F780] =	vst v63  }
0xf4: {  	_ =	swait.ge [sflag:s19], $0x3F00  }
0xf5: {  	[sflag:s19] =	ssyncset.done $0x0  }
0xf6: {  	[sflag:s19] =	ssyncadd.s32 $0xFFFFC100  }
0xf7: {  	[tilespmem:s23], [sflag:$0x2] =	stream.indirect.gather [hbm4b:s4+s22], $0x90, s17, s22, $0xb8;
	[tilespmem:$0x1F780] =	vst v63  }
0xf8: {  	_ =	swait.ge [sflag:s24], $0x3F00  }
0xf9: {  	[sflag:s24] =	ssyncset.done $0x0  }
0xfa: {  	[sflag:s24] =	ssyncadd.s32 $0xFFFFC100  }
0xfb: {  	[spmem:s2] =	stream.indirect.scatter.add.f32 [tilespmem:s18], [sflag:$0x3], $0x90, s6, s22, $0xb8;
	[tilespmem:$0x1F780] =	vst v63  }
0xfc: {  	_ =	swait.ge [sflag:s19], $0x3F00  }
0xfd: {  	[sflag:s19] =	ssyncset.done $0x0  }
0xfe: {  	[sflag:s19] =	ssyncadd.s32 $0xFFFFC100  }
0xff: {  	_ =	swait.ge [sflag:s25], $0x3F00  }
0x100: {  	[sflag:s25] =	ssyncset.done $0x0  }
0x101: {  	[sflag:s25] =	ssyncadd.s32 $0xFFFFC100  }
0x102: {  	[spmem:s2] =	stream.indirect.scatter.add.f32 [tilespmem:s23], [sflag:$0x3], $0x90, s7, s22, $0xb8;
	[tilespmem:$0x1F780] =	vst v63  }
0x103: {  	s9 =	simm.s32 $0x118;
	_ =	swait.ge [sflag:s19], $0x3F00  }
0x104: {  	s10 =	simm.s32 $0x230;
	s5 =	rddreg [dreg:$0x5];
	[sflag:s19] =	ssyncset.done $0x0  }
.LBB2_4:
0x105: {  	[sflag:s19] =	ssyncadd.s32 $0xFFFFC100;
	s5 =	sadd.s32 s9, s5  }
0x106: {  	[tilespmem:s20], [sflag:$0x3] =	stream.linear.gather [hbm4b:s5+s3], $0x8C0, $0x38;
	[tilespmem:$0x1F780] =	vst v63  }
0x107: {  	_ =	swait.ge [sflag:s19], $0x8C0  }
0x108: {  	s5 =	rddreg [dreg:$0x4];
	[sflag:s19] =	ssyncset.done $0x0  }
0x109: {  	[sflag:s19] =	ssyncadd.s32 $0xFFFFF740;
	s5 =	sadd.s32 s9, s5  }
0x10a: {  	[tilespmem:s21], [sflag:$0x3] =	stream.linear.gather [hbm4b:s5+s3], $0x8C0, $0x38;
	[tilespmem:$0x1F780] =	vst v63  }
0x10b: {  	_ =	swait.ge [sflag:s19], $0x8C0  }
0x10c: {  	[sflag:s19] =	ssyncset.done $0x0  }
0x10d: {  	s8 =	smov.u32 s10;
	[sflag:s19] =	ssyncadd.s32 $0xFFFFF740  }
0x10e: {  	[tilespmem:s18], [sflag:$0x1] =	stream.indirect.gather [hbm4b:s4+s22], $0x90, s20, s22, $0xb8;
	[tilespmem:$0x1F780] =	vst v63  }
0x10f: {  	s9 =	smov.u32 s8;
	s8 =	rddreg [dreg:$0x6]  }
0x110: {  	[tilespmem:s23], [sflag:$0x2] =	stream.indirect.gather [hbm4b:s4+s22], $0x90, s8, s22, $0xb8;
	[tilespmem:$0x1F780] =	vst v63  }
0x111: {  	_ =	swait.ge [sflag:s24], $0x3F00  }
0x112: {  	[sflag:s24] =	ssyncset.done $0x0  }
0x113: {  	[sflag:s24] =	ssyncadd.s32 $0xFFFFC100  }
0x114: {  	[spmem:s2] =	stream.indirect.scatter.add.f32 [tilespmem:s18], [sflag:$0x3], $0x90, s21, s22, $0xb8;
	[tilespmem:$0x1F780] =	vst v63  }
0x115: {  	_ =	swait.ge [sflag:s19], $0x3F00  }
0x116: {  	[sflag:s19] =	ssyncset.done $0x0  }
0x117: {  	s8 =	rddreg [dreg:$0x7];
	[sflag:s19] =	ssyncadd.s32 $0xFFFFC100  }
0x118: {  	[tilespmem:s18], [sflag:$0x1] =	stream.indirect.gather [hbm4b:s4+s22], $0x90, s8, s22, $0xb8;
	[tilespmem:$0x1F780] =	vst v63  }
0x119: {  	_ =	swait.ge [sflag:s25], $0x3F00  }
0x11a: {  	[sflag:s25] =	ssyncset.done $0x0  }
0x11b: {  	s8 =	rddreg [dreg:$0x8];
	[sflag:s25] =	ssyncadd.s32 $0xFFFFC100  }
0x11c: {  	[spmem:s2] =	stream.indirect.scatter.add.f32 [tilespmem:s23], [sflag:$0x3], $0x90, s8, s22, $0xb8;
	[tilespmem:$0x1F780] =	vst v63  }
0x11d: {  	_ =	swait.ge [sflag:s19], $0x3F00  }
0x11e: {  	[sflag:s19] =	ssyncset.done $0x0  }
0x11f: {  	s8 =	rddreg [dreg:$0x9];
	[sflag:s19] =	ssyncadd.s32 $0xFFFFC100  }
0x120: {  	[tilespmem:s23], [sflag:$0x2] =	stream.indirect.gather [hbm4b:s4+s22], $0x90, s8, s22, $0xb8;
	[tilespmem:$0x1F780] =	vst v63  }
0x121: {  	_ =	swait.ge [sflag:s24], $0x3F00  }
0x122: {  	[sflag:s24] =	ssyncset.done $0x0  }
0x123: {  	s8 =	rddreg [dreg:$0xa];
	[sflag:s24] =	ssyncadd.s32 $0xFFFFC100  }
0x124: {  	[spmem:s2] =	stream.indirect.scatter.add.f32 [tilespmem:s18], [sflag:$0x3], $0x90, s8, s22, $0xb8;
	[tilespmem:$0x1F780] =	vst v63  }
0x125: {  	_ =	swait.ge [sflag:s19], $0x3F00  }
0x126: {  	[sflag:s19] =	ssyncset.done $0x0  }
0x127: {  	s8 =	rddreg [dreg:$0xb];
	[sflag:s19] =	ssyncadd.s32 $0xFFFFC100  }
0x128: {  	[tilespmem:s18], [sflag:$0x1] =	stream.indirect.gather [hbm4b:s4+s22], $0x90, s8, s22, $0xb8;
	[tilespmem:$0x1F780] =	vst v63  }
0x129: {  	_ =	swait.ge [sflag:s25], $0x3F00  }
0x12a: {  	[sflag:s25] =	ssyncset.done $0x0  }
0x12b: {  	s8 =	rddreg [dreg:$0xc];
	[sflag:s25] =	ssyncadd.s32 $0xFFFFC100  }
0x12c: {  	[spmem:s2] =	stream.indirect.scatter.add.f32 [tilespmem:s23], [sflag:$0x3], $0x90, s8, s22, $0xb8;
	[tilespmem:$0x1F780] =	vst v63  }
0x12d: {  	_ =	swait.ge [sflag:s19], $0x3F00  }
0x12e: {  	[sflag:s19] =	ssyncset.done $0x0  }
0x12f: {  	s8 =	rddreg [dreg:$0xd];
	[sflag:s19] =	ssyncadd.s32 $0xFFFFC100  }
0x130: {  	[tilespmem:s23], [sflag:$0x2] =	stream.indirect.gather [hbm4b:s4+s22], $0x90, s8, s22, $0xb8;
	[tilespmem:$0x1F780] =	vst v63  }
0x131: {  	_ =	swait.ge [sflag:s24], $0x3F00  }
0x132: {  	[sflag:s24] =	ssyncset.done $0x0  }
0x133: {  	s8 =	rddreg [dreg:$0xe];
	[sflag:s24] =	ssyncadd.s32 $0xFFFFC100  }
0x134: {  	[spmem:s2] =	stream.indirect.scatter.add.f32 [tilespmem:s18], [sflag:$0x3], $0x90, s8, s22, $0xb8;
	[tilespmem:$0x1F780] =	vst v63  }
0x135: {  	_ =	swait.ge [sflag:s19], $0x3F00  }
0x136: {  	[sflag:s19] =	ssyncset.done $0x0  }
0x137: {  	s8 =	rddreg [dreg:$0xf];
	[sflag:s19] =	ssyncadd.s32 $0xFFFFC100  }
0x138: {  	[tilespmem:s18], [sflag:$0x1] =	stream.indirect.gather [hbm4b:s4+s22], $0x90, s8, s22, $0xb8;
	[tilespmem:$0x1F780] =	vst v63  }
0x139: {  	_ =	swait.ge [sflag:s25], $0x3F00  }
0x13a: {  	[sflag:s25] =	ssyncset.done $0x0  }
0x13b: {  	s8 =	rddreg [dreg:$0x10];
	[sflag:s25] =	ssyncadd.s32 $0xFFFFC100  }
0x13c: {  	[spmem:s2] =	stream.indirect.scatter.add.f32 [tilespmem:s23], [sflag:$0x3], $0x90, s8, s22, $0xb8;
	[tilespmem:$0x1F780] =	vst v63  }
0x13d: {  	_ =	swait.ge [sflag:s19], $0x3F00  }
0x13e: {  	[sflag:s19] =	ssyncset.done $0x0  }
0x13f: {  	s8 =	rddreg [dreg:$0x11];
	[sflag:s19] =	ssyncadd.s32 $0xFFFFC100  }
0x140: {  	[tilespmem:s23], [sflag:$0x2] =	stream.indirect.gather [hbm4b:s4+s22], $0x90, s8, s22, $0xb8;
	[tilespmem:$0x1F780] =	vst v63  }
0x141: {  	_ =	swait.ge [sflag:s24], $0x3F00  }
0x142: {  	[sflag:s24] =	ssyncset.done $0x0  }
0x143: {  	s8 =	rddreg [dreg:$0x12];
	[sflag:s24] =	ssyncadd.s32 $0xFFFFC100  }
0x144: {  	[spmem:s2] =	stream.indirect.scatter.add.f32 [tilespmem:s18], [sflag:$0x3], $0x90, s8, s22, $0xb8;
	[tilespmem:$0x1F780] =	vst v63  }
0x145: {  	_ =	swait.ge [sflag:s19], $0x3F00  }
0x146: {  	[sflag:s19] =	ssyncset.done $0x0  }
0x147: {  	s8 =	rddreg [dreg:$0x13];
	[sflag:s19] =	ssyncadd.s32 $0xFFFFC100  }
0x148: {  	[tilespmem:s18], [sflag:$0x1] =	stream.indirect.gather [hbm4b:s4+s22], $0x90, s8, s22, $0xb8;
	[tilespmem:$0x1F780] =	vst v63  }
0x149: {  	_ =	swait.ge [sflag:s25], $0x3F00  }
0x14a: {  	[sflag:s25] =	ssyncset.done $0x0  }
0x14b: {  	s8 =	rddreg [dreg:$0x14];
	[sflag:s25] =	ssyncadd.s32 $0xFFFFC100  }
0x14c: {  	[spmem:s2] =	stream.indirect.scatter.add.f32 [tilespmem:s23], [sflag:$0x3], $0x90, s8, s22, $0xb8;
	[tilespmem:$0x1F780] =	vst v63  }
0x14d: {  	_ =	swait.ge [sflag:s19], $0x3F00  }
0x14e: {  	[sflag:s19] =	ssyncset.done $0x0  }
0x14f: {  	s8 =	rddreg [dreg:$0x15];
	[sflag:s19] =	ssyncadd.s32 $0xFFFFC100  }
0x150: {  	[tilespmem:s23], [sflag:$0x2] =	stream.indirect.gather [hbm4b:s4+s22], $0x90, s8, s22, $0xb8;
	[tilespmem:$0x1F780] =	vst v63  }
0x151: {  	_ =	swait.ge [sflag:s24], $0x3F00  }
0x152: {  	[sflag:s24] =	ssyncset.done $0x0  }
0x153: {  	s8 =	rddreg [dreg:$0x16];
	[sflag:s24] =	ssyncadd.s32 $0xFFFFC100  }
0x154: {  	[spmem:s2] =	stream.indirect.scatter.add.f32 [tilespmem:s18], [sflag:$0x3], $0x90, s8, s22, $0xb8;
	[tilespmem:$0x1F780] =	vst v63  }
0x155: {  	_ =	swait.ge [sflag:s19], $0x3F00  }
0x156: {  	[sflag:s19] =	ssyncset.done $0x0  }
0x157: {  	s8 =	rddreg [dreg:$0x17];
	[sflag:s19] =	ssyncadd.s32 $0xFFFFC100  }
0x158: {  	[tilespmem:s18], [sflag:$0x1] =	stream.indirect.gather [hbm4b:s4+s22], $0x90, s8, s22, $0xb8;
	[tilespmem:$0x1F780] =	vst v63  }
0x159: {  	_ =	swait.ge [sflag:s25], $0x3F00  }
0x15a: {  	[sflag:s25] =	ssyncset.done $0x0  }
0x15b: {  	s8 =	rddreg [dreg:$0x18];
	[sflag:s25] =	ssyncadd.s32 $0xFFFFC100  }
0x15c: {  	[spmem:s2] =	stream.indirect.scatter.add.f32 [tilespmem:s23], [sflag:$0x3], $0x90, s8, s22, $0xb8;
	[tilespmem:$0x1F780] =	vst v63  }
0x15d: {  	_ =	swait.ge [sflag:s19], $0x3F00  }
0x15e: {  	[sflag:s19] =	ssyncset.done $0x0  }
0x15f: {  	s8 =	rddreg [dreg:$0x19];
	[sflag:s19] =	ssyncadd.s32 $0xFFFFC100  }
0x160: {  	[tilespmem:s23], [sflag:$0x2] =	stream.indirect.gather [hbm4b:s4+s22], $0x90, s8, s22, $0xb8;
	[tilespmem:$0x1F780] =	vst v63  }
0x161: {  	_ =	swait.ge [sflag:s24], $0x3F00  }
0x162: {  	[sflag:s24] =	ssyncset.done $0x0  }
0x163: {  	s8 =	rddreg [dreg:$0x1a];
	[sflag:s24] =	ssyncadd.s32 $0xFFFFC100  }
0x164: {  	[spmem:s2] =	stream.indirect.scatter.add.f32 [tilespmem:s18], [sflag:$0x3], $0x90, s8, s22, $0xb8;
	[tilespmem:$0x1F780] =	vst v63  }
0x165: {  	_ =	swait.ge [sflag:s19], $0x3F00  }
0x166: {  	[sflag:s19] =	ssyncset.done $0x0  }
0x167: {  	s8 =	rddreg [dreg:$0x1b];
	[sflag:s19] =	ssyncadd.s32 $0xFFFFC100  }
0x168: {  	[tilespmem:s18], [sflag:$0x1] =	stream.indirect.gather [hbm4b:s4+s22], $0x90, s8, s22, $0xb8;
	[tilespmem:$0x1F780] =	vst v63  }
0x169: {  	_ =	swait.ge [sflag:s25], $0x3F00  }
0x16a: {  	[sflag:s25] =	ssyncset.done $0x0  }
0x16b: {  	[sflag:s25] =	ssyncadd.s32 $0xFFFFC100  }
0x16c: {  	[spmem:s2] =	stream.indirect.scatter.add.f32 [tilespmem:s23], [sflag:$0x3], $0x90, s26, s22, $0xb8;
	[tilespmem:$0x1F780] =	vst v63  }
0x16d: {  	_ =	swait.ge [sflag:s19], $0x3F00  }
0x16e: {  	[sflag:s19] =	ssyncset.done $0x0  }
0x16f: {  	[sflag:s19] =	ssyncadd.s32 $0xFFFFC100  }
0x170: {  	[tilespmem:s23], [sflag:$0x2] =	stream.indirect.gather [hbm4b:s4+s22], $0x90, s28, s22, $0xb8;
	[tilespmem:$0x1F780] =	vst v63  }
0x171: {  	_ =	swait.ge [sflag:s24], $0x3F00  }
0x172: {  	[sflag:s24] =	ssyncset.done $0x0  }
0x173: {  	[sflag:s24] =	ssyncadd.s32 $0xFFFFC100  }
0x174: {  	[spmem:s2] =	stream.indirect.scatter.add.f32 [tilespmem:s18], [sflag:$0x3], $0x90, s29, s22, $0xb8;
	[tilespmem:$0x1F780] =	vst v63  }
0x175: {  	_ =	swait.ge [sflag:s19], $0x3F00  }
0x176: {  	[sflag:s19] =	ssyncset.done $0x0  }
0x177: {  	[sflag:s19] =	ssyncadd.s32 $0xFFFFC100  }
0x178: {  	[tilespmem:s18], [sflag:$0x1] =	stream.indirect.gather [hbm4b:s4+s22], $0x90, s30, s22, $0xb8;
	[tilespmem:$0x1F780] =	vst v63  }
0x179: {  	_ =	swait.ge [sflag:s25], $0x3F00  }
0x17a: {  	[sflag:s25] =	ssyncset.done $0x0  }
0x17b: {  	[sflag:s25] =	ssyncadd.s32 $0xFFFFC100  }
0x17c: {  	[spmem:s2] =	stream.indirect.scatter.add.f32 [tilespmem:s23], [sflag:$0x3], $0x90, s31, s22, $0xb8;
	[tilespmem:$0x1F780] =	vst v63  }
0x17d: {  	_ =	swait.ge [sflag:s19], $0x3F00  }
0x17e: {  	[sflag:s19] =	ssyncset.done $0x0  }
0x17f: {  	[sflag:s19] =	ssyncadd.s32 $0xFFFFC100  }
0x180: {  	[tilespmem:s23], [sflag:$0x2] =	stream.indirect.gather [hbm4b:s4+s22], $0x90, s0, s22, $0xb8;
	[tilespmem:$0x1F780] =	vst v63  }
0x181: {  	_ =	swait.ge [sflag:s24], $0x3F00  }
0x182: {  	[sflag:s24] =	ssyncset.done $0x0  }
0x183: {  	[sflag:s24] =	ssyncadd.s32 $0xFFFFC100  }
0x184: {  	[spmem:s2] =	stream.indirect.scatter.add.f32 [tilespmem:s18], [sflag:$0x3], $0x90, s1, s22, $0xb8;
	[tilespmem:$0x1F780] =	vst v63  }
0x185: {  	_ =	swait.ge [sflag:s19], $0x3F00  }
0x186: {  	[sflag:s19] =	ssyncset.done $0x0  }
0x187: {  	[sflag:s19] =	ssyncadd.s32 $0xFFFFC100  }
0x188: {  	[tilespmem:s18], [sflag:$0x1] =	stream.indirect.gather [hbm4b:s4+s22], $0x90, s11, s22, $0xb8;
	[tilespmem:$0x1F780] =	vst v63  }
0x189: {  	_ =	swait.ge [sflag:s25], $0x3F00  }
0x18a: {  	[sflag:s25] =	ssyncset.done $0x0  }
0x18b: {  	[sflag:s25] =	ssyncadd.s32 $0xFFFFC100  }
0x18c: {  	[spmem:s2] =	stream.indirect.scatter.add.f32 [tilespmem:s23], [sflag:$0x3], $0x90, s12, s22, $0xb8;
	[tilespmem:$0x1F780] =	vst v63  }
0x18d: {  	_ =	swait.ge [sflag:s19], $0x3F00  }
0x18e: {  	[sflag:s19] =	ssyncset.done $0x0  }
0x18f: {  	[sflag:s19] =	ssyncadd.s32 $0xFFFFC100  }
0x190: {  	[tilespmem:s23], [sflag:$0x2] =	stream.indirect.gather [hbm4b:s4+s22], $0x90, s13, s22, $0xb8;
	[tilespmem:$0x1F780] =	vst v63  }
0x191: {  	_ =	swait.ge [sflag:s24], $0x3F00  }
0x192: {  	[sflag:s24] =	ssyncset.done $0x0  }
0x193: {  	[sflag:s24] =	ssyncadd.s32 $0xFFFFC100  }
0x194: {  	[spmem:s2] =	stream.indirect.scatter.add.f32 [tilespmem:s18], [sflag:$0x3], $0x90, s14, s22, $0xb8;
	[tilespmem:$0x1F780] =	vst v63  }
0x195: {  	_ =	swait.ge [sflag:s19], $0x3F00  }
0x196: {  	[sflag:s19] =	ssyncset.done $0x0  }
0x197: {  	[sflag:s19] =	ssyncadd.s32 $0xFFFFC100  }
0x198: {  	[tilespmem:s18], [sflag:$0x1] =	stream.indirect.gather [hbm4b:s4+s22], $0x90, s15, s22, $0xb8;
	[tilespmem:$0x1F780] =	vst v63  }
0x199: {  	_ =	swait.ge [sflag:s25], $0x3F00  }
0x19a: {  	[sflag:s25] =	ssyncset.done $0x0  }
0x19b: {  	[sflag:s25] =	ssyncadd.s32 $0xFFFFC100  }
0x19c: {  	[spmem:s2] =	stream.indirect.scatter.add.f32 [tilespmem:s23], [sflag:$0x3], $0x90, s16, s22, $0xb8;
	[tilespmem:$0x1F780] =	vst v63  }
0x19d: {  	_ =	swait.ge [sflag:s19], $0x3F00  }
0x19e: {  	[sflag:s19] =	ssyncset.done $0x0  }
0x19f: {  	[sflag:s19] =	ssyncadd.s32 $0xFFFFC100  }
0x1a0: {  	[tilespmem:s23], [sflag:$0x2] =	stream.indirect.gather [hbm4b:s4+s22], $0x90, s17, s22, $0xb8;
	[tilespmem:$0x1F780] =	vst v63  }
0x1a1: {  	_ =	swait.ge [sflag:s24], $0x3F00  }
0x1a2: {  	[sflag:s24] =	ssyncset.done $0x0  }
0x1a3: {  	[sflag:s24] =	ssyncadd.s32 $0xFFFFC100  }
0x1a4: {  	[spmem:s2] =	stream.indirect.scatter.add.f32 [tilespmem:s18], [sflag:$0x3], $0x90, s6, s22, $0xb8;
	[tilespmem:$0x1F780] =	vst v63  }
0x1a5: {  	_ =	swait.ge [sflag:s19], $0x3F00  }
0x1a6: {  	[sflag:s19] =	ssyncset.done $0x0  }
0x1a7: {  	[sflag:s19] =	ssyncadd.s32 $0xFFFFC100  }
0x1a8: {  	p0 =	sne.s32 s10, $0x8C0;
	_ =	swait.ge [sflag:s25], $0x3F00  }
.Ltmp1:
0x1a9: {  	[sflag:s25] =	ssyncset.done $0x0;
	(pc) =	sbr.rel @p0 .LBB2_4-.Ltmp1, $4  }
0x1aa: {  	[sflag:s25] =	ssyncadd.s32 $0xFFFFC100  }
0x1ab: {  	[spmem:s2] =	stream.indirect.scatter.add.f32 [tilespmem:s23], [sflag:$0x3], $0x90, s7, s22, $0xb8;
	[tilespmem:$0x1F780] =	vst v63  }
0x1ac: {  	_ =	swait.ge [sflag:s19], $0x3F00  }
0x1ad: {  	s10 =	sadd.s32 $0x118, s10;
	s5 =	rddreg [dreg:$0x5];
	[sflag:s19] =	ssyncset.done $0x0  }
0x1ae: {  	[sflag:s19] =	ssyncadd.s32 $0xFFFFC100;
	s5 =	sadd.s32 s9, s5  }
0x1af: {  	[tilespmem:s20], [sflag:$0x3] =	stream.linear.gather [hbm4b:s5+s3], $0x8C0, $0x38;
	[tilespmem:$0x1F780] =	vst v63  }
0x1b0: {  	_ =	swait.ge [sflag:s19], $0x8C0  }
0x1b1: {  	s8 =	rddreg [dreg:$0x4];
	[sflag:s19] =	ssyncset.done $0x0  }
0x1b2: {  	s5 =	sadd.s32 s9, s8;
	[sflag:s19] =	ssyncadd.s32 $0xFFFFF740  }
0x1b3: {  	[tilespmem:s21], [sflag:$0x3] =	stream.linear.gather [hbm4b:s5+s3], $0x8C0, $0x38;
	[tilespmem:$0x1F780] =	vst v63  }
0x1b4: {  	_ =	swait.ge [sflag:s19], $0x8C0  }
0x1b5: {  	[sflag:s19] =	ssyncset.done $0x0  }
0x1b6: {  	[sflag:s19] =	ssyncadd.s32 $0xFFFFF740  }
0x1b7: {  	[tilespmem:s18], [sflag:$0x1] =	stream.indirect.gather [hbm4b:s4+s22], $0x90, s20, s22, $0xb8;
	[tilespmem:$0x1F780] =	vst v63  }
0x1b8: {  	s10 =	rddreg [dreg:$0x6]  }
0x1b9: {  	[tilespmem:s23], [sflag:$0x2] =	stream.indirect.gather [hbm4b:s4+s22], $0x90, s10, s22, $0xb8;
	[tilespmem:$0x1F780] =	vst v63  }
0x1ba: {  	_ =	swait.ge [sflag:s24], $0x3F00  }
0x1bb: {  	[sflag:s24] =	ssyncset.done $0x0  }
0x1bc: {  	[sflag:s24] =	ssyncadd.s32 $0xFFFFC100  }
0x1bd: {  	[spmem:s2] =	stream.indirect.scatter.add.f32 [tilespmem:s18], [sflag:$0x3], $0x90, s21, s22, $0xb8;
	[tilespmem:$0x1F780] =	vst v63  }
0x1be: {  	_ =	swait.ge [sflag:s19], $0x3F00  }
0x1bf: {  	[sflag:s19] =	ssyncset.done $0x0  }
0x1c0: {  	s8 =	rddreg [dreg:$0x7];
	[sflag:s19] =	ssyncadd.s32 $0xFFFFC100  }
0x1c1: {  	[tilespmem:s18], [sflag:$0x1] =	stream.indirect.gather [hbm4b:s4+s22], $0x90, s8, s22, $0xb8;
	[tilespmem:$0x1F780] =	vst v63  }
0x1c2: {  	_ =	swait.ge [sflag:s25], $0x3F00  }
0x1c3: {  	[sflag:s25] =	ssyncset.done $0x0  }
0x1c4: {  	s9 =	rddreg [dreg:$0x8];
	[sflag:s25] =	ssyncadd.s32 $0xFFFFC100  }
0x1c5: {  	[spmem:s2] =	stream.indirect.scatter.add.f32 [tilespmem:s23], [sflag:$0x3], $0x90, s9, s22, $0xb8;
	[tilespmem:$0x1F780] =	vst v63  }
0x1c6: {  	_ =	swait.ge [sflag:s19], $0x3F00  }
0x1c7: {  	[sflag:s19] =	ssyncset.done $0x0  }
0x1c8: {  	s10 =	rddreg [dreg:$0x9];
	[sflag:s19] =	ssyncadd.s32 $0xFFFFC100  }
0x1c9: {  	[tilespmem:s23], [sflag:$0x2] =	stream.indirect.gather [hbm4b:s4+s22], $0x90, s10, s22, $0xb8;
	[tilespmem:$0x1F780] =	vst v63  }
0x1ca: {  	_ =	swait.ge [sflag:s24], $0x3F00  }
0x1cb: {  	[sflag:s24] =	ssyncset.done $0x0  }
0x1cc: {  	s8 =	rddreg [dreg:$0xa];
	[sflag:s24] =	ssyncadd.s32 $0xFFFFC100  }
0x1cd: {  	[spmem:s2] =	stream.indirect.scatter.add.f32 [tilespmem:s18], [sflag:$0x3], $0x90, s8, s22, $0xb8;
	[tilespmem:$0x1F780] =	vst v63  }
0x1ce: {  	_ =	swait.ge [sflag:s19], $0x3F00  }
0x1cf: {  	[sflag:s19] =	ssyncset.done $0x0  }
0x1d0: {  	s9 =	rddreg [dreg:$0xb];
	[sflag:s19] =	ssyncadd.s32 $0xFFFFC100  }
0x1d1: {  	[tilespmem:s18], [sflag:$0x1] =	stream.indirect.gather [hbm4b:s4+s22], $0x90, s9, s22, $0xb8;
	[tilespmem:$0x1F780] =	vst v63  }
0x1d2: {  	_ =	swait.ge [sflag:s25], $0x3F00  }
0x1d3: {  	[sflag:s25] =	ssyncset.done $0x0  }
0x1d4: {  	s10 =	rddreg [dreg:$0xc];
	[sflag:s25] =	ssyncadd.s32 $0xFFFFC100  }
0x1d5: {  	[spmem:s2] =	stream.indirect.scatter.add.f32 [tilespmem:s23], [sflag:$0x3], $0x90, s10, s22, $0xb8;
	[tilespmem:$0x1F780] =	vst v63  }
0x1d6: {  	_ =	swait.ge [sflag:s19], $0x3F00  }
0x1d7: {  	[sflag:s19] =	ssyncset.done $0x0  }
0x1d8: {  	s8 =	rddreg [dreg:$0xd];
	[sflag:s19] =	ssyncadd.s32 $0xFFFFC100  }
0x1d9: {  	[tilespmem:s23], [sflag:$0x2] =	stream.indirect.gather [hbm4b:s4+s22], $0x90, s8, s22, $0xb8;
	[tilespmem:$0x1F780] =	vst v63  }
0x1da: {  	_ =	swait.ge [sflag:s24], $0x3F00  }
0x1db: {  	[sflag:s24] =	ssyncset.done $0x0  }
0x1dc: {  	s9 =	rddreg [dreg:$0xe];
	[sflag:s24] =	ssyncadd.s32 $0xFFFFC100  }
0x1dd: {  	[spmem:s2] =	stream.indirect.scatter.add.f32 [tilespmem:s18], [sflag:$0x3], $0x90, s9, s22, $0xb8;
	[tilespmem:$0x1F780] =	vst v63  }
0x1de: {  	_ =	swait.ge [sflag:s19], $0x3F00  }
0x1df: {  	[sflag:s19] =	ssyncset.done $0x0  }
0x1e0: {  	s10 =	rddreg [dreg:$0xf];
	[sflag:s19] =	ssyncadd.s32 $0xFFFFC100  }
0x1e1: {  	[tilespmem:s18], [sflag:$0x1] =	stream.indirect.gather [hbm4b:s4+s22], $0x90, s10, s22, $0xb8;
	[tilespmem:$0x1F780] =	vst v63  }
0x1e2: {  	_ =	swait.ge [sflag:s25], $0x3F00  }
0x1e3: {  	[sflag:s25] =	ssyncset.done $0x0  }
0x1e4: {  	s8 =	rddreg [dreg:$0x10];
	[sflag:s25] =	ssyncadd.s32 $0xFFFFC100  }
0x1e5: {  	[spmem:s2] =	stream.indirect.scatter.add.f32 [tilespmem:s23], [sflag:$0x3], $0x90, s8, s22, $0xb8;
	[tilespmem:$0x1F780] =	vst v63  }
0x1e6: {  	_ =	swait.ge [sflag:s19], $0x3F00  }
0x1e7: {  	[sflag:s19] =	ssyncset.done $0x0  }
0x1e8: {  	s9 =	rddreg [dreg:$0x11];
	[sflag:s19] =	ssyncadd.s32 $0xFFFFC100  }
0x1e9: {  	[tilespmem:s23], [sflag:$0x2] =	stream.indirect.gather [hbm4b:s4+s22], $0x90, s9, s22, $0xb8;
	[tilespmem:$0x1F780] =	vst v63  }
0x1ea: {  	_ =	swait.ge [sflag:s24], $0x3F00  }
0x1eb: {  	[sflag:s24] =	ssyncset.done $0x0  }
0x1ec: {  	s10 =	rddreg [dreg:$0x12];
	[sflag:s24] =	ssyncadd.s32 $0xFFFFC100  }
0x1ed: {  	[spmem:s2] =	stream.indirect.scatter.add.f32 [tilespmem:s18], [sflag:$0x3], $0x90, s10, s22, $0xb8;
	[tilespmem:$0x1F780] =	vst v63  }
0x1ee: {  	_ =	swait.ge [sflag:s19], $0x3F00  }
0x1ef: {  	[sflag:s19] =	ssyncset.done $0x0  }
0x1f0: {  	s8 =	rddreg [dreg:$0x13];
	[sflag:s19] =	ssyncadd.s32 $0xFFFFC100  }
0x1f1: {  	[tilespmem:s18], [sflag:$0x1] =	stream.indirect.gather [hbm4b:s4+s22], $0x90, s8, s22, $0xb8;
	[tilespmem:$0x1F780] =	vst v63  }
0x1f2: {  	_ =	swait.ge [sflag:s25], $0x3F00  }
0x1f3: {  	[sflag:s25] =	ssyncset.done $0x0  }
0x1f4: {  	s9 =	rddreg [dreg:$0x14];
	[sflag:s25] =	ssyncadd.s32 $0xFFFFC100  }
0x1f5: {  	[spmem:s2] =	stream.indirect.scatter.add.f32 [tilespmem:s23], [sflag:$0x3], $0x90, s9, s22, $0xb8;
	[tilespmem:$0x1F780] =	vst v63  }
0x1f6: {  	_ =	swait.ge [sflag:s19], $0x3F00  }
0x1f7: {  	[sflag:s19] =	ssyncset.done $0x0  }
0x1f8: {  	s10 =	rddreg [dreg:$0x15];
	[sflag:s19] =	ssyncadd.s32 $0xFFFFC100  }
0x1f9: {  	[tilespmem:s23], [sflag:$0x2] =	stream.indirect.gather [hbm4b:s4+s22], $0x90, s10, s22, $0xb8;
	[tilespmem:$0x1F780] =	vst v63  }
0x1fa: {  	_ =	swait.ge [sflag:s24], $0x3F00  }
0x1fb: {  	[sflag:s24] =	ssyncset.done $0x0  }
0x1fc: {  	s8 =	rddreg [dreg:$0x16];
	[sflag:s24] =	ssyncadd.s32 $0xFFFFC100  }
0x1fd: {  	[spmem:s2] =	stream.indirect.scatter.add.f32 [tilespmem:s18], [sflag:$0x3], $0x90, s8, s22, $0xb8;
	[tilespmem:$0x1F780] =	vst v63  }
0x1fe: {  	_ =	swait.ge [sflag:s19], $0x3F00  }
0x1ff: {  	[sflag:s19] =	ssyncset.done $0x0  }
0x200: {  	s9 =	rddreg [dreg:$0x17];
	[sflag:s19] =	ssyncadd.s32 $0xFFFFC100  }
0x201: {  	[tilespmem:s18], [sflag:$0x1] =	stream.indirect.gather [hbm4b:s4+s22], $0x90, s9, s22, $0xb8;
	[tilespmem:$0x1F780] =	vst v63  }
0x202: {  	_ =	swait.ge [sflag:s25], $0x3F00  }
0x203: {  	[sflag:s25] =	ssyncset.done $0x0  }
0x204: {  	s10 =	rddreg [dreg:$0x18];
	[sflag:s25] =	ssyncadd.s32 $0xFFFFC100  }
0x205: {  	[spmem:s2] =	stream.indirect.scatter.add.f32 [tilespmem:s23], [sflag:$0x3], $0x90, s10, s22, $0xb8;
	[tilespmem:$0x1F780] =	vst v63  }
0x206: {  	_ =	swait.ge [sflag:s19], $0x3F00  }
0x207: {  	[sflag:s19] =	ssyncset.done $0x0  }
0x208: {  	s8 =	rddreg [dreg:$0x19];
	[sflag:s19] =	ssyncadd.s32 $0xFFFFC100  }
0x209: {  	[tilespmem:s23], [sflag:$0x2] =	stream.indirect.gather [hbm4b:s4+s22], $0x90, s8, s22, $0xb8;
	[tilespmem:$0x1F780] =	vst v63  }
0x20a: {  	_ =	swait.ge [sflag:s24], $0x3F00  }
0x20b: {  	[sflag:s24] =	ssyncset.done $0x0  }
0x20c: {  	s9 =	rddreg [dreg:$0x1a];
	[sflag:s24] =	ssyncadd.s32 $0xFFFFC100  }
0x20d: {  	[spmem:s2] =	stream.indirect.scatter.add.f32 [tilespmem:s18], [sflag:$0x3], $0x90, s9, s22, $0xb8;
	[tilespmem:$0x1F780] =	vst v63  }
0x20e: {  	_ =	swait.ge [sflag:s19], $0x3F00  }
0x20f: {  	[sflag:s19] =	ssyncset.done $0x0  }
0x210: {  	s10 =	rddreg [dreg:$0x1b];
	[sflag:s19] =	ssyncadd.s32 $0xFFFFC100  }
0x211: {  	[tilespmem:s18], [sflag:$0x1] =	stream.indirect.gather [hbm4b:s4+s22], $0x90, s10, s22, $0xb8;
	[tilespmem:$0x1F780] =	vst v63  }
0x212: {  	_ =	swait.ge [sflag:s25], $0x3F00  }
0x213: {  	[sflag:s25] =	ssyncset.done $0x0  }
0x214: {  	[sflag:s25] =	ssyncadd.s32 $0xFFFFC100  }
0x215: {  	[spmem:s2] =	stream.indirect.scatter.add.f32 [tilespmem:s23], [sflag:$0x3], $0x90, s26, s22, $0xb8;
	[tilespmem:$0x1F780] =	vst v63  }
0x216: {  	_ =	swait.ge [sflag:s19], $0x3F00  }
0x217: {  	[sflag:s19] =	ssyncset.done $0x0  }
0x218: {  	[sflag:s19] =	ssyncadd.s32 $0xFFFFC100  }
0x219: {  	[tilespmem:s23], [sflag:$0x2] =	stream.indirect.gather [hbm4b:s4+s22], $0x90, s28, s22, $0xb8;
	[tilespmem:$0x1F780] =	vst v63  }
0x21a: {  	_ =	swait.ge [sflag:s24], $0x3F00  }
0x21b: {  	[sflag:s24] =	ssyncset.done $0x0  }
0x21c: {  	[sflag:s24] =	ssyncadd.s32 $0xFFFFC100  }
0x21d: {  	[spmem:s2] =	stream.indirect.scatter.add.f32 [tilespmem:s18], [sflag:$0x3], $0x90, s29, s22, $0xb8;
	[tilespmem:$0x1F780] =	vst v63  }
0x21e: {  	_ =	swait.ge [sflag:s19], $0x3F00  }
0x21f: {  	[sflag:s19] =	ssyncset.done $0x0  }
0x220: {  	[sflag:s19] =	ssyncadd.s32 $0xFFFFC100  }
0x221: {  	[tilespmem:s18], [sflag:$0x1] =	stream.indirect.gather [hbm4b:s4+s22], $0x90, s30, s22, $0xb8;
	[tilespmem:$0x1F780] =	vst v63  }
0x222: {  	_ =	swait.ge [sflag:s25], $0x3F00  }
0x223: {  	[sflag:s25] =	ssyncset.done $0x0  }
0x224: {  	[sflag:s25] =	ssyncadd.s32 $0xFFFFC100  }
0x225: {  	[spmem:s2] =	stream.indirect.scatter.add.f32 [tilespmem:s23], [sflag:$0x3], $0x90, s31, s22, $0xb8;
	[tilespmem:$0x1F780] =	vst v63  }
0x226: {  	_ =	swait.ge [sflag:s19], $0x3F00  }
0x227: {  	[sflag:s19] =	ssyncset.done $0x0  }
0x228: {  	[sflag:s19] =	ssyncadd.s32 $0xFFFFC100  }
0x229: {  	[tilespmem:s23], [sflag:$0x2] =	stream.indirect.gather [hbm4b:s4+s22], $0x90, s0, s22, $0xb8;
	[tilespmem:$0x1F780] =	vst v63  }
0x22a: {  	_ =	swait.ge [sflag:s24], $0x3F00  }
0x22b: {  	[sflag:s24] =	ssyncset.done $0x0  }
0x22c: {  	[sflag:s24] =	ssyncadd.s32 $0xFFFFC100  }
0x22d: {  	[spmem:s2] =	stream.indirect.scatter.add.f32 [tilespmem:s18], [sflag:$0x3], $0x90, s1, s22, $0xb8;
	[tilespmem:$0x1F780] =	vst v63  }
0x22e: {  	_ =	swait.ge [sflag:s19], $0x3F00  }
0x22f: {  	[sflag:s19] =	ssyncset.done $0x0  }
0x230: {  	[sflag:s19] =	ssyncadd.s32 $0xFFFFC100  }
0x231: {  	[tilespmem:s18], [sflag:$0x1] =	stream.indirect.gather [hbm4b:s4+s22], $0x90, s11, s22, $0xb8;
	[tilespmem:$0x1F780] =	vst v63  }
0x232: {  	_ =	swait.ge [sflag:s25], $0x3F00  }
0x233: {  	[sflag:s25] =	ssyncset.done $0x0  }
0x234: {  	[sflag:s25] =	ssyncadd.s32 $0xFFFFC100  }
0x235: {  	[spmem:s2] =	stream.indirect.scatter.add.f32 [tilespmem:s23], [sflag:$0x3], $0x90, s12, s22, $0xb8;
	[tilespmem:$0x1F780] =	vst v63  }
0x236: {  	_ =	swait.ge [sflag:s19], $0x3F00  }
0x237: {  	[sflag:s19] =	ssyncset.done $0x0  }
0x238: {  	[sflag:s19] =	ssyncadd.s32 $0xFFFFC100  }
0x239: {  	[tilespmem:s23], [sflag:$0x2] =	stream.indirect.gather [hbm4b:s4+s22], $0x90, s13, s22, $0xb8;
	[tilespmem:$0x1F780] =	vst v63  }
0x23a: {  	_ =	swait.ge [sflag:s24], $0x3F00  }
0x23b: {  	[sflag:s24] =	ssyncset.done $0x0  }
0x23c: {  	[sflag:s24] =	ssyncadd.s32 $0xFFFFC100  }
0x23d: {  	[spmem:s2] =	stream.indirect.scatter.add.f32 [tilespmem:s18], [sflag:$0x3], $0x90, s14, s22, $0xb8;
	[tilespmem:$0x1F780] =	vst v63  }
0x23e: {  	_ =	swait.ge [sflag:s19], $0x3F00  }
0x23f: {  	[sflag:s19] =	ssyncset.done $0x0  }
0x240: {  	[sflag:s19] =	ssyncadd.s32 $0xFFFFC100  }
0x241: {  	[tilespmem:s18], [sflag:$0x1] =	stream.indirect.gather [hbm4b:s4+s22], $0x90, s15, s22, $0xb8;
	[tilespmem:$0x1F780] =	vst v63  }
0x242: {  	_ =	swait.ge [sflag:s25], $0x3F00  }
0x243: {  	[sflag:s25] =	ssyncset.done $0x0  }
0x244: {  	[sflag:s25] =	ssyncadd.s32 $0xFFFFC100  }
0x245: {  	[spmem:s2] =	stream.indirect.scatter.add.f32 [tilespmem:s23], [sflag:$0x3], $0x90, s16, s22, $0xb8;
	[tilespmem:$0x1F780] =	vst v63  }
0x246: {  	_ =	swait.ge [sflag:s19], $0x3F00  }
0x247: {  	[sflag:s19] =	ssyncset.done $0x0  }
0x248: {  	[sflag:s19] =	ssyncadd.s32 $0xFFFFC100  }
0x249: {  	[tilespmem:s23], [sflag:$0x2] =	stream.indirect.gather [hbm4b:s4+s22], $0x90, s17, s22, $0xb8;
	[tilespmem:$0x1F780] =	vst v63  }
0x24a: {  	_ =	swait.ge [sflag:s24], $0x3F00  }
0x24b: {  	[sflag:s24] =	ssyncset.done $0x0  }
0x24c: {  	[sflag:s24] =	ssyncadd.s32 $0xFFFFC100  }
0x24d: {  	[spmem:s2] =	stream.indirect.scatter.add.f32 [tilespmem:s18], [sflag:$0x3], $0x90, s6, s22, $0xb8;
	[tilespmem:$0x1F780] =	vst v63  }
0x24e: {  	_ =	swait.ge [sflag:s19], $0x3F00  }
0x24f: {  	[sflag:s19] =	ssyncset.done $0x0  }
0x250: {  	[sflag:s19] =	ssyncadd.s32 $0xFFFFC100  }
0x251: {  	_ =	swait.ge [sflag:s25], $0x3F00  }
0x252: {  	[sflag:s25] =	ssyncset.done $0x0  }
0x253: {  	[sflag:s25] =	ssyncadd.s32 $0xFFFFC100  }
0x254: {  	[spmem:s2] =	stream.indirect.scatter.add.f32 [tilespmem:s23], [sflag:$0x3], $0x90, s7, s22, $0xb8;
	[tilespmem:$0x1F780] =	vst v63  }
0x255: {  	_ =	swait.ge [sflag:s19], $0x3F00  }
0x256: {  	[sflag:s19] =	ssyncset.done $0x0  }
0x257: {  	[sflag:s19] =	ssyncadd.s32 $0xFFFFC100  }
0x258: {  	[bflag:$0x0] =	sbarrier.arrive $0xFFFF  }
0x259: {  	s8 =	rddreg [dreg:$0x1c]  }
0x25a: {  	[tilespmem:s18], [sflag:$0x3] =	stream.linear.gather [spmem:s8], $0x3F00, $0x38;
	[tilespmem:$0x1F780] =	vst v63  }
0x25b: {  	_ =	swait.ge [sflag:s19], $0x3F00  }
0x25c: {  	s9 =	sld [smem:$0x7F7]  }
0x25d: {  	[sflag:s19] =	ssyncset.done $0x0  }
0x25e: {  	[sflag:s19] =	ssyncadd.s32 $0xFFFFC100  }
0x25f: {  	[hbm4b:s9+s3] =	stream.linear.scatter [tilespmem:s18], [sflag:$0x3], $0x3F00, $0x38;
	[tilespmem:$0x1F780] =	vst v63  }
0x260: {  	_ =	swait.ge [sflag:s19], $0x3F00  }
0x261: {  	[sflag:s19] =	ssyncset.done $0x0  }
0x262: {  	s8 =	rddreg [dreg:$0x1d];
	[sflag:s19] =	ssyncadd.s32 $0xFFFFC100  }
0x263: {  	[tilespmem:s18], [sflag:$0x3] =	stream.linear.gather [spmem:s8], $0x3F00, $0x38;
	[tilespmem:$0x1F780] =	vst v63  }
0x264: {  	_ =	swait.ge [sflag:s19], $0x3F00  }
0x265: {  	s10 =	sld [smem:$0x7F8]  }
0x266: {  	[sflag:s19] =	ssyncset.done $0x0  }
0x267: {  	[sflag:s19] =	ssyncadd.s32 $0xFFFFC100  }
0x268: {  	[hbm4b:s10+s3] =	stream.linear.scatter [tilespmem:s18], [sflag:$0x3], $0x3F00, $0x38;
	[tilespmem:$0x1F780] =	vst v63  }
0x269: {  	_ =	swait.ge [sflag:s19], $0x3F00  }
0x26a: {  	[sflag:s19] =	ssyncset.done $0x0  }
0x26b: {  	s9 =	rddreg [dreg:$0x1e];
	[sflag:s19] =	ssyncadd.s32 $0xFFFFC100  }
0x26c: {  	[tilespmem:s18], [sflag:$0x3] =	stream.linear.gather [spmem:s9], $0x3F00, $0x38;
	[tilespmem:$0x1F780] =	vst v63  }
0x26d: {  	_ =	swait.ge [sflag:s19], $0x3F00  }
0x26e: {  	s10 =	sld [smem:$0x7F9]  }
0x26f: {  	[sflag:s19] =	ssyncset.done $0x0  }
0x270: {  	[sflag:s19] =	ssyncadd.s32 $0xFFFFC100  }
0x271: {  	[hbm4b:s10+s3] =	stream.linear.scatter [tilespmem:s18], [sflag:$0x3], $0x3F00, $0x38;
	[tilespmem:$0x1F780] =	vst v63  }
0x272: {  	_ =	swait.ge [sflag:s19], $0x3F00  }
0x273: {  	[sflag:s19] =	ssyncset.done $0x0  }
0x274: {  	s9 =	rddreg [dreg:$0x1f];
	[sflag:s19] =	ssyncadd.s32 $0xFFFFC100  }
0x275: {  	[tilespmem:s18], [sflag:$0x3] =	stream.linear.gather [spmem:s9], $0x3F00, $0x38;
	[tilespmem:$0x1F780] =	vst v63  }
0x276: {  	_ =	swait.ge [sflag:s19], $0x3F00  }
0x277: {  	s10 =	sld [smem:$0x7FA]  }
0x278: {  	[sflag:s19] =	ssyncset.done $0x0  }
0x279: {  	[sflag:s19] =	ssyncadd.s32 $0xFFFFC100  }
0x27a: {  	[hbm4b:s10+s3] =	stream.linear.scatter [tilespmem:s18], [sflag:$0x3], $0x3F00, $0x38;
	[tilespmem:$0x1F780] =	vst v63  }
0x27b: {  	_ =	swait.ge [sflag:s19], $0x3F00  }
0x27c: {  	s9 =	sld [smem:$0x7F5]  }
0x27d: {  	[sflag:s19] =	ssyncset.done $0x0  }
0x27e: {  	[sflag:s19] =	ssyncadd.s32 $0xFFFFC100  }
0x27f: {  	[tilespmem:s18], [sflag:$0x3] =	stream.linear.gather [spmem:s9], $0x3F00, $0x38;
	[tilespmem:$0x1F780] =	vst v63  }
0x280: {  	_ =	swait.ge [sflag:s19], $0x3F00  }
0x281: {  	s10 =	sld [smem:$0x7FB]  }
0x282: {  	[sflag:s19] =	ssyncset.done $0x0  }
0x283: {  	[sflag:s19] =	ssyncadd.s32 $0xFFFFC100  }
0x284: {  	[hbm4b:s10+s3] =	stream.linear.scatter [tilespmem:s18], [sflag:$0x3], $0x3F00, $0x38;
	[tilespmem:$0x1F780] =	vst v63  }
0x285: {  	_ =	swait.ge [sflag:s19], $0x3F00  }
0x286: {  	s9 =	sld [smem:$0x7F6]  }
0x287: {  	[sflag:s19] =	ssyncset.done $0x0  }
0x288: {  	[sflag:s19] =	ssyncadd.s32 $0xFFFFC100  }
0x289: {  	[tilespmem:s18], [sflag:$0x3] =	stream.linear.gather [spmem:s9], $0x2D00, $0x38;
	[tilespmem:$0x1F780] =	vst v63  }
0x28a: {  	_ =	swait.ge [sflag:s19], $0x2D00  }
0x28b: {  	s10 =	sld [smem:$0x7FC]  }
0x28c: {  	[sflag:s19] =	ssyncset.done $0x0  }
0x28d: {  	[sflag:s19] =	ssyncadd.s32 $0xFFFFD300  }
0x28e: {  	[hbm4b:s10+s3] =	stream.linear.scatter [tilespmem:s18], [sflag:$0x3], $0x2D00, $0x38;
	[tilespmem:$0x1F780] =	vst v63  }
0x28f: {  	_ =	swait.ge [sflag:s19], $0x2D00  }
0x290: {  	s5 =	sld [smem:$0x7F4]  }
0x291: {  	s10 =	sld [smem:$0x7FD];
	_ =	sdelay $0x1  }
0x292: {  	s9 =	sadd.s32 $0x1, s5  }
0x293: {  	p0 =	sne.s32 s9, s10  }
.Ltmp2:
0x294: {  	_ = 	snop;
	(pc) =	sbr.rel @p0 .LBB2_1-.Ltmp2, $3  }
0x295: {  	_ =	sdelay $0x1  }
0x296: {  	[sflag:s19] =	ssyncset.done $0x0  }
0x297: {  	[sflag:s19] =	ssyncadd.s32 $0xFFFFD300  }
0x298: {  	_ =	sfence.sel $0x180000  }
0x299: {  	[bflag:$0x0] =	sbarrier.arrive $0xFFFF  }
0x29a: {  	_ =	strace $0x90000047  }
0x29b: {  	s0 =	stileid.u32;
	[bflag:$0x2] =	sbarrier.arrive $0xFFFF  }
0x29c: {  	p0 =	sne.s32 s0, $0x0;
	s0 =	rddreg [dreg:$0x3]  }
0x29d: {  	s0 =	sadd.s32 @!p0 $0x100000, s0  }
0x29e: {  	[sflag:s0] =	ssyncadd.tile.s32 @!p0 $0x1;
	_ =	shalt  }
.Lfunc_end2:
_tile_overlayer_lowered:
.L_overlay_start_2:
0x29f: {  	(tag) =	ssettag $0x2  }
0x2a0: {  	s0 =	rddreg [dreg:$0x0];
	s2 =	stileid.u32  }
0x2a1: {  	s1 =	rddreg [dreg:$0x1];
	p0 =	sne.s32 s2, $0x0  }
0x2a2: {  	s3 =	rddreg [dreg:$0x2];
	[bflag:$0x3] =	sbarrier.arrive $0xFFFF;
	s2 =	simm.s32 @!p0 $0x1C03  }
0x2a3: {  	[timem:s3], [sflag:s2] =	dma.local @!p0 [hbm:s0], s1  }
0x2a4: {  	s0 =	simm.s32 @!p0 $0x3  }
0x2a5: {  	_ =	swait.ge @!p0 [sflag:s0], s1  }
0x2a6: {  	s1 =	ssub.s32 @!p0 $0x0, s1;
	[sflag:s0] =	ssyncset.done @!p0 $0x0  }
0x2a7: {  	[sflag:s0] =	ssyncadd.s32 @!p0 s1  }
0x2a8: {  	[bflag:$0x3] =	sbarrier.arrive $0xFFFF  }
0x2a9: {  	_ =	shalt  }

</sc_bundles>
